<compile_context>
chip_gen: v7x
topology: tpu7x:2x2x1
jax: 0.10.2.dev20260603
libtpu: 0.0.44.dev20260713+nightly
codegen_flags: <defaults>
</compile_context>

<pallas_src>
import jax
import jax.numpy as jnp
from jax import lax
from jax.experimental import pallas as pl
from jax.experimental.pallas import tpu as pltpu
from jax.experimental.pallas import tpu_sc as plsc

RAC_SIZE = 1000000
N_RASU = 2
GRID = 101
N_REFLN = 500000

NUM_CORES = 2
NUM_SUBCORES = 16
NW = NUM_CORES * NUM_SUBCORES

_G1 = GRID
_G2 = GRID * GRID
_G3 = GRID * GRID * GRID

W_ELEMS = 15744
STRIDE = 15624
LAST_BASE = N_REFLN - W_ELEMS

IMG_PAD = 1000448
IMG_SLICE = IMG_PAD // NUM_SUBCORES
ZCHUNK = IMG_SLICE // 4

M_ELEMS = 31312
M_STRIDE = 31248
M_LAST = RAC_SIZE - M_ELEMS


def _scatter_body(fidx_hbm, grid_hbm, flags_hbm,
                  idx_v, obs_v, ones_v, zbuf, shared, sem_g, sem_s):
    c = lax.axis_index("c")
    s = lax.axis_index("s")
    wid = s * NUM_CORES + c
    base = jnp.minimum(wid * STRIDE, LAST_BASE)

    one16 = jnp.full((16,), 1, dtype=jnp.int32)
    zero16 = jnp.zeros((16,), dtype=jnp.int32)

    def fill_ones(j, carry):
        ones_v[pl.ds(j * 16, 16)] = one16
        return carry

    lax.fori_loop(0, W_ELEMS // 16, fill_ones, 0)

    def fill_zeros(j, carry):
        zbuf[pl.ds(j * 16, 16)] = zero16
        return carry

    lax.fori_loop(0, ZCHUNK // 16, fill_zeros, 0)

    pltpu.sync_copy(fidx_hbm.at[pl.ds(base, W_ELEMS)], idx_v)
    gather = pltpu.async_copy(grid_hbm.at[idx_v], obs_v, sem_g)

    for k in range(4):
        pltpu.sync_copy(zbuf,
                        shared.at[pl.ds(s * IMG_SLICE + k * ZCHUNK, ZCHUNK)])
    gather.wait()
    plsc.subcore_barrier()

    pltpu.async_copy(ones_v, shared.at[obs_v], sem_s).wait()
    plsc.subcore_barrier()

    for k in range(4):
        pltpu.sync_copy(shared.at[pl.ds(s * IMG_SLICE + k * ZCHUNK, ZCHUNK)],
                        zbuf)
        pltpu.sync_copy(zbuf,
                        flags_hbm.at[pl.ds(c * IMG_PAD + s * IMG_SLICE
                                           + k * ZCHUNK, ZCHUNK)])


def _merge_body(flags_hbm, obs_hbm, out_hbm, f0_v, f1_v, ob_v):
    c = lax.axis_index("c")
    s = lax.axis_index("s")
    wid = s * NUM_CORES + c
    base = jnp.minimum(wid * M_STRIDE, M_LAST)

    pltpu.sync_copy(flags_hbm.at[pl.ds(base, M_ELEMS)], f0_v)
    pltpu.sync_copy(flags_hbm.at[pl.ds(IMG_PAD + base, M_ELEMS)], f1_v)
    pltpu.sync_copy(obs_hbm.at[pl.ds(base, M_ELEMS)], ob_v)

    one16f = jnp.full((16,), 1.0, dtype=jnp.float32)

    def step(j, carry):
        f = f0_v[pl.ds(j * 16, 16)] | f1_v[pl.ds(j * 16, 16)]
        o = ob_v[pl.ds(j * 16, 16)]
        ob_v[pl.ds(j * 16, 16)] = jnp.where(f != 0, one16f, o)
        return carry

    lax.fori_loop(0, M_ELEMS // 16, step, 0)

    pltpu.sync_copy(ob_v, out_hbm.at[pl.ds(base, M_ELEMS)])


def _mesh():
    return plsc.VectorSubcoreMesh(
        core_axis_name="c", subcore_axis_name="s",
        num_cores=NUM_CORES, num_subcores=NUM_SUBCORES)


def _run(fidx, grid_flat, observed):
    scatter_k = pl.kernel(
        _scatter_body,
        out_type=jax.ShapeDtypeStruct((2 * IMG_PAD,), jnp.int32),
        mesh=_mesh(),
        compiler_params=pltpu.CompilerParams(needs_layout_passes=False),
        scratch_types=[
            pltpu.VMEM((W_ELEMS,), jnp.int32),
            pltpu.VMEM((W_ELEMS,), jnp.int32),
            pltpu.VMEM((W_ELEMS,), jnp.int32),
            pltpu.VMEM((ZCHUNK,), jnp.int32),
            pltpu.VMEM_SHARED((IMG_PAD,), jnp.int32),
            pltpu.SemaphoreType.DMA,
            pltpu.SemaphoreType.DMA,
        ],
    )
    flags = scatter_k(fidx, grid_flat)

    merge_k = pl.kernel(
        _merge_body,
        out_type=jax.ShapeDtypeStruct((RAC_SIZE,), jnp.float32),
        mesh=_mesh(),
        compiler_params=pltpu.CompilerParams(needs_layout_passes=False),
        scratch_types=[
            pltpu.VMEM((M_ELEMS,), jnp.int32),
            pltpu.VMEM((M_ELEMS,), jnp.int32),
            pltpu.VMEM((M_ELEMS,), jnp.float32),
        ],
    )
    return merge_k(flags, observed)


def kernel(observed, rasu_id, H, reflection_id_grid):
    fidx = (rasu_id * _G3 + H[:, 0] * _G2 + H[:, 1] * _G1 + H[:, 2])
    grid_flat = reflection_id_grid.reshape(-1)
    return _run(fidx, grid_flat, observed)

# --- scband reference (transcript-rebuilt; emitter-appended) ---
"""Pipeline reference for scband-posterior-base-86002425135820 (READ-ONLY COPY).

The authoritative reference and input builder live on the scoring server;
editing this copy changes nothing except your own understanding.
"""

import jax, jax.numpy as jnp
import numpy as np

RAC_SIZE = 1000000
N_RASU = 2
GRID = 101
N_REFLN = 500000


def setup_inputs(seed: int = 0) -> dict:
    key = jax.random.key(seed)
    k1, k2, k3 = jax.random.split(key, 3)
    observed = jnp.zeros((RAC_SIZE,), dtype=jnp.float32)
    rasu_id = jax.random.randint(k1, (N_REFLN,), 0, N_RASU, dtype=jnp.int32)
    H = jax.random.randint(k2, (N_REFLN, 3), 0, GRID, dtype=jnp.int32)
    reflection_id_grid = jax.random.randint(k3, (N_RASU, GRID, GRID, GRID), 0, RAC_SIZE, dtype=jnp.int32)
    return {
        "observed": observed,
        "rasu_id": rasu_id,
        "H": H,
        "reflection_id_grid": reflection_id_grid,
    }


def reference(observed, rasu_id, H, reflection_id_grid):
    # Faithful translation of PosteriorBase.update_observed:
    #   h, k, l = H.T
    #   observed_idx = rac.reflection_id_grid[rasu_id, h, k, l]
    #   observed[observed_idx] = True
    h = H[:, 0]
    k = H[:, 1]
    l = H[:, 2]
    observed_idx = reflection_id_grid[rasu_id, h, k, l]
    new_observed = observed.at[observed_idx].set(1.0)
    return new_observed

if __name__ == "__main__":
    import jax
    _d = setup_inputs()
    print(jax.jit(kernel)(*tuple(_d.values())))

</pallas_src>

<mosaic_0001>
#map = affine_map<(d0, d1) -> (0)>
module attributes {stable_mosaic.version = 14 : i64} {
  func.func @_merge_body(%arg0: i32, %arg1: i32, %arg2: memref<2000896xi32, #tpu.memory_space<hbm>>, %arg3: memref<1000000xf32, #tpu.memory_space<hbm>>, %arg4: memref<1000000xf32, #tpu.memory_space<hbm>>, %arg5: memref<31312xi32, #tpu.memory_space<vmem>>, %arg6: memref<31312xi32, #tpu.memory_space<vmem>>, %arg7: memref<31312xf32, #tpu.memory_space<vmem>>) attributes {dimension_semantics = [#tpu.dimension_semantics<core_parallel>, #tpu.dimension_semantics<subcore_parallel>], iteration_bounds = array<i64: 2, 16>, scalar_prefetch = 0 : i64, scratch_operands = 3 : i64, tpu.core_type = #tpu.core_type<sc_vector_subcore>, window_params = [{transform_indices = #map}, {transform_indices = #map}, {transform_indices = #map}]} {
    %mul3A = arith.constant 2 : i32
    %mul3A_0 = arith.muli %arg1, %mul3A : i32
    %add3A = arith.addi %mul3A_0, %arg0 : i32
    %mul3A_1 = arith.constant 31248 : i32
    %mul3A_2 = arith.muli %add3A, %mul3A_1 : i32
    %min3A = arith.constant 968688 : i32
    %min3A_3 = arith.minsi %mul3A_2, %min3A : i32
    "tpu.region"() ({
      %run_scoped3A = tpu.sem_alloc : memref<!tpu.dma_semaphore, #tpu.memory_space<semaphore_mem>>
      %dma_start3A = tpu.memref_slice %arg2[%min3A_3] : memref<2000896xi32, #tpu.memory_space<hbm>> -> memref<31312xi32, #tpu.memory_space<hbm>>
      %dma_start3A_12 = tpu.memref_slice %arg2[%min3A_3] : memref<2000896xi32, #tpu.memory_space<hbm>> -> memref<31312xi32, #tpu.memory_space<hbm>>
      tpu.enqueue_dma source(%dma_start3A_12 : memref<31312xi32, #tpu.memory_space<hbm>>) target(%arg5 : memref<31312xi32, #tpu.memory_space<vmem>>) target_semaphore(%run_scoped3A : memref<!tpu.dma_semaphore, #tpu.memory_space<semaphore_mem>>)
      %dma_wait3A = tpu.memref_slice %arg2[%min3A_3] : memref<2000896xi32, #tpu.memory_space<hbm>> -> memref<31312xi32, #tpu.memory_space<hbm>>
      %dma_wait3A_13 = tpu.memref_slice %arg2[%min3A_3] : memref<2000896xi32, #tpu.memory_space<hbm>> -> memref<31312xi32, #tpu.memory_space<hbm>>
      tpu.wait_dma2 semaphore(%run_scoped3A : memref<!tpu.dma_semaphore, #tpu.memory_space<semaphore_mem>>) src(%dma_wait3A_13 : memref<31312xi32, #tpu.memory_space<hbm>>) dst(%arg5 : memref<31312xi32, #tpu.memory_space<vmem>>)
      tpu.yield
    }) : () -> ()
    %add3A_4 = arith.constant 1000448 : i32
    %add3A_5 = arith.addi %add3A_4, %min3A_3 : i32
    "tpu.region"() ({
      %run_scoped3A = tpu.sem_alloc : memref<!tpu.dma_semaphore, #tpu.memory_space<semaphore_mem>>
      %dma_start3A = tpu.memref_slice %arg2[%add3A_5] : memref<2000896xi32, #tpu.memory_space<hbm>> -> memref<31312xi32, #tpu.memory_space<hbm>>
      %dma_start3A_12 = tpu.memref_slice %arg2[%add3A_5] : memref<2000896xi32, #tpu.memory_space<hbm>> -> memref<31312xi32, #tpu.memory_space<hbm>>
      tpu.enqueue_dma source(%dma_start3A_12 : memref<31312xi32, #tpu.memory_space<hbm>>) target(%arg6 : memref<31312xi32, #tpu.memory_space<vmem>>) target_semaphore(%run_scoped3A : memref<!tpu.dma_semaphore, #tpu.memory_space<semaphore_mem>>)
      %dma_wait3A = tpu.memref_slice %arg2[%add3A_5] : memref<2000896xi32, #tpu.memory_space<hbm>> -> memref<31312xi32, #tpu.memory_space<hbm>>
      %dma_wait3A_13 = tpu.memref_slice %arg2[%add3A_5] : memref<2000896xi32, #tpu.memory_space<hbm>> -> memref<31312xi32, #tpu.memory_space<hbm>>
      tpu.wait_dma2 semaphore(%run_scoped3A : memref<!tpu.dma_semaphore, #tpu.memory_space<semaphore_mem>>) src(%dma_wait3A_13 : memref<31312xi32, #tpu.memory_space<hbm>>) dst(%arg6 : memref<31312xi32, #tpu.memory_space<vmem>>)
      tpu.yield
    }) : () -> ()
    "tpu.region"() ({
      %run_scoped3A = tpu.sem_alloc : memref<!tpu.dma_semaphore, #tpu.memory_space<semaphore_mem>>
      %dma_start3A = tpu.memref_slice %arg3[%min3A_3] : memref<1000000xf32, #tpu.memory_space<hbm>> -> memref<31312xf32, #tpu.memory_space<hbm>>
      %dma_start3A_12 = tpu.memref_slice %arg3[%min3A_3] : memref<1000000xf32, #tpu.memory_space<hbm>> -> memref<31312xf32, #tpu.memory_space<hbm>>
      tpu.enqueue_dma source(%dma_start3A_12 : memref<31312xf32, #tpu.memory_space<hbm>>) target(%arg7 : memref<31312xf32, #tpu.memory_space<vmem>>) target_semaphore(%run_scoped3A : memref<!tpu.dma_semaphore, #tpu.memory_space<semaphore_mem>>)
      %dma_wait3A = tpu.memref_slice %arg3[%min3A_3] : memref<1000000xf32, #tpu.memory_space<hbm>> -> memref<31312xf32, #tpu.memory_space<hbm>>
      %dma_wait3A_13 = tpu.memref_slice %arg3[%min3A_3] : memref<1000000xf32, #tpu.memory_space<hbm>> -> memref<31312xf32, #tpu.memory_space<hbm>>
      tpu.wait_dma2 semaphore(%run_scoped3A : memref<!tpu.dma_semaphore, #tpu.memory_space<semaphore_mem>>) src(%dma_wait3A_13 : memref<31312xf32, #tpu.memory_space<hbm>>) dst(%arg7 : memref<31312xf32, #tpu.memory_space<vmem>>)
      tpu.yield
    }) : () -> ()
    %broadcast_in_dim3A = arith.constant 1.000000e+00 : f32
    %broadcast_in_dim3A_6 = vector.broadcast %broadcast_in_dim3A : f32 to vector<16xf32>
    %scan3A = arith.constant 0 : i32
    %scan3A_7 = arith.constant 0 : i32
    %scan3A_8 = arith.constant 1957 : i32
    %scan3A_9 = arith.addi %scan3A_7, %scan3A_8 : i32
    %scan3A_10 = arith.constant 1 : i32
    scf.for %scan3A_12 = %scan3A_7 to %scan3A_9 step %scan3A_10  : i32 {
      %mul3A_13 = arith.constant 16 : i32
      %mul3A_14 = arith.muli %scan3A_12, %mul3A_13 : i32
      %get3A = arith.index_cast %mul3A_14 : i32 to index
      %get3A_15 = tpu.vector_load %arg5[%get3A] {strides = array<i32>} : memref<31312xi32, #tpu.memory_space<vmem>>, vector<16xi32>,
      %mul3A_16 = arith.constant 16 : i32
      %mul3A_17 = arith.muli %scan3A_12, %mul3A_16 : i32
      %get3A_18 = arith.index_cast %mul3A_17 : i32 to index
      %get3A_19 = tpu.vector_load %arg6[%get3A_18] {strides = array<i32>} : memref<31312xi32, #tpu.memory_space<vmem>>, vector<16xi32>,
      %or3A = arith.ori %get3A_15, %get3A_19 : vector<16xi32>
      %mul3A_20 = arith.constant 16 : i32
      %mul3A_21 = arith.muli %scan3A_12, %mul3A_20 : i32
      %get3A_22 = arith.index_cast %mul3A_21 : i32 to index
      %get3A_23 = tpu.vector_load %arg7[%get3A_22] {strides = array<i32>} : memref<31312xf32, #tpu.memory_space<vmem>>, vector<16xf32>,
      %ne3A = arith.constant 0 : i32
      %ne3A_24 = vector.broadcast %ne3A : i32 to vector<16xi32>
      %ne3A_25 = arith.cmpi ne, %or3A, %ne3A_24 : vector<16xi32>
      %select_n3A = arith.select %ne3A_25, %broadcast_in_dim3A_6, %get3A_23 : vector<16xi1>, vector<16xf32>
      %mul3A_26 = arith.constant 16 : i32
      %mul3A_27 = arith.muli %scan3A_12, %mul3A_26 : i32
      %swap3A = arith.index_cast %mul3A_27 : i32 to index
      %swap3A_28 = tpu.vector_load %arg7[%swap3A] {strides = array<i32>} : memref<31312xf32, #tpu.memory_space<vmem>>, vector<16xf32>,
      tpu.vector_store %arg7[%swap3A], %select_n3A {strides = array<i32>} : memref<31312xf32, #tpu.memory_space<vmem>>, vector<16xf32>,
    }
    %scan3A_11 = arith.constant 1957 : i32
    "tpu.region"() ({
      %run_scoped3A = tpu.sem_alloc : memref<!tpu.dma_semaphore, #tpu.memory_space<semaphore_mem>>
      %dma_start3A = tpu.memref_slice %arg4[%min3A_3] : memref<1000000xf32, #tpu.memory_space<hbm>> -> memref<31312xf32, #tpu.memory_space<hbm>>
      %dma_start3A_12 = tpu.memref_slice %arg4[%min3A_3] : memref<1000000xf32, #tpu.memory_space<hbm>> -> memref<31312xf32, #tpu.memory_space<hbm>>
      tpu.enqueue_dma source(%arg7 : memref<31312xf32, #tpu.memory_space<vmem>>) target(%dma_start3A_12 : memref<31312xf32, #tpu.memory_space<hbm>>) target_semaphore(%run_scoped3A : memref<!tpu.dma_semaphore, #tpu.memory_space<semaphore_mem>>)
      %dma_wait3A = tpu.memref_slice %arg4[%min3A_3] : memref<1000000xf32, #tpu.memory_space<hbm>> -> memref<31312xf32, #tpu.memory_space<hbm>>
      %dma_wait3A_13 = tpu.memref_slice %arg4[%min3A_3] : memref<1000000xf32, #tpu.memory_space<hbm>> -> memref<31312xf32, #tpu.memory_space<hbm>>
      tpu.wait_dma2 semaphore(%run_scoped3A : memref<!tpu.dma_semaphore, #tpu.memory_space<semaphore_mem>>) src(%arg7 : memref<31312xf32, #tpu.memory_space<vmem>>) dst(%dma_wait3A_13 : memref<31312xf32, #tpu.memory_space<hbm>>)
      tpu.yield
    }) : () -> ()
    return
  }
}

#map = affine_map<(d0, d1) -> (0)>
module attributes {stable_mosaic.version = 14 : i64} {
  func.func @_scatter_body(%arg0: i32, %arg1: i32, %arg2: memref<500000xi32, #tpu.memory_space<hbm>>, %arg3: memref<2060602xi32, #tpu.memory_space<hbm>>, %arg4: memref<2000896xi32, #tpu.memory_space<hbm>>, %arg5: memref<15744xi32, #tpu.memory_space<vmem>>, %arg6: memref<15744xi32, #tpu.memory_space<vmem>>, %arg7: memref<15744xi32, #tpu.memory_space<vmem>>, %arg8: memref<15632xi32, #tpu.memory_space<vmem>>, %arg9: memref<1000448xi32, #tpu.memory_space<vmem_shared>>, %arg10: memref<!tpu.dma_semaphore, #tpu.memory_space<semaphore_mem>>, %arg11: memref<!tpu.dma_semaphore, #tpu.memory_space<semaphore_mem>>) attributes {dimension_semantics = [#tpu.dimension_semantics<core_parallel>, #tpu.dimension_semantics<subcore_parallel>], iteration_bounds = array<i64: 2, 16>, scalar_prefetch = 0 : i64, scratch_operands = 7 : i64, tpu.core_type = #tpu.core_type<sc_vector_subcore>, window_params = [{transform_indices = #map}, {transform_indices = #map}, {transform_indices = #map}]} {
    %mul3A = arith.constant 2 : i32
    %mul3A_0 = arith.muli %arg1, %mul3A : i32
    %add3A = arith.addi %mul3A_0, %arg0 : i32
    %mul3A_1 = arith.constant 15624 : i32
    %mul3A_2 = arith.muli %add3A, %mul3A_1 : i32
    %min3A = arith.constant 484256 : i32
    %min3A_3 = arith.minsi %mul3A_2, %min3A : i32
    %broadcast_in_dim3A = arith.constant 1 : i32
    %broadcast_in_dim3A_4 = vector.broadcast %broadcast_in_dim3A : i32 to vector<16xi32>
    %broadcast_in_dim3A_5 = arith.constant 0 : i32
    %broadcast_in_dim3A_6 = vector.broadcast %broadcast_in_dim3A_5 : i32 to vector<16xi32>
    %scan3A = arith.constant 0 : i32
    %scan3A_7 = arith.constant 0 : i32
    %scan3A_8 = arith.constant 984 : i32
    %scan3A_9 = arith.addi %scan3A_7, %scan3A_8 : i32
    %scan3A_10 = arith.constant 1 : i32
    scf.for %scan3A_85 = %scan3A_7 to %scan3A_9 step %scan3A_10  : i32 {
      %mul3A_86 = arith.constant 16 : i32
      %mul3A_87 = arith.muli %scan3A_85, %mul3A_86 : i32
      %swap3A = arith.index_cast %mul3A_87 : i32 to index
      %swap3A_88 = tpu.vector_load %arg7[%swap3A] {strides = array<i32>} : memref<15744xi32, #tpu.memory_space<vmem>>, vector<16xi32>,
      tpu.vector_store %arg7[%swap3A], %broadcast_in_dim3A_4 {strides = array<i32>} : memref<15744xi32, #tpu.memory_space<vmem>>, vector<16xi32>,
    }
    %scan3A_11 = arith.constant 984 : i32
    %scan3A_12 = arith.constant 0 : i32
    %scan3A_13 = arith.constant 0 : i32
    %scan3A_14 = arith.constant 977 : i32
    %scan3A_15 = arith.addi %scan3A_13, %scan3A_14 : i32
    %scan3A_16 = arith.constant 1 : i32
    scf.for %scan3A_85 = %scan3A_13 to %scan3A_15 step %scan3A_16  : i32 {
      %mul3A_86 = arith.constant 16 : i32
      %mul3A_87 = arith.muli %scan3A_85, %mul3A_86 : i32
      %swap3A = arith.index_cast %mul3A_87 : i32 to index
      %swap3A_88 = tpu.vector_load %arg8[%swap3A] {strides = array<i32>} : memref<15632xi32, #tpu.memory_space<vmem>>, vector<16xi32>,
      tpu.vector_store %arg8[%swap3A], %broadcast_in_dim3A_6 {strides = array<i32>} : memref<15632xi32, #tpu.memory_space<vmem>>, vector<16xi32>,
    }
    %scan3A_17 = arith.constant 977 : i32
    "tpu.region"() ({
      %run_scoped3A = tpu.sem_alloc : memref<!tpu.dma_semaphore, #tpu.memory_space<semaphore_mem>>
      %dma_start3A_85 = tpu.memref_slice %arg2[%min3A_3] : memref<500000xi32, #tpu.memory_space<hbm>> -> memref<15744xi32, #tpu.memory_space<hbm>>
      %dma_start3A_86 = tpu.memref_slice %arg2[%min3A_3] : memref<500000xi32, #tpu.memory_space<hbm>> -> memref<15744xi32, #tpu.memory_space<hbm>>
      tpu.enqueue_dma source(%dma_start3A_86 : memref<15744xi32, #tpu.memory_space<hbm>>) target(%arg5 : memref<15744xi32, #tpu.memory_space<vmem>>) target_semaphore(%run_scoped3A : memref<!tpu.dma_semaphore, #tpu.memory_space<semaphore_mem>>)
      %dma_wait3A_87 = tpu.memref_slice %arg2[%min3A_3] : memref<500000xi32, #tpu.memory_space<hbm>> -> memref<15744xi32, #tpu.memory_space<hbm>>
      %dma_wait3A_88 = tpu.memref_slice %arg2[%min3A_3] : memref<500000xi32, #tpu.memory_space<hbm>> -> memref<15744xi32, #tpu.memory_space<hbm>>
      tpu.wait_dma2 semaphore(%run_scoped3A : memref<!tpu.dma_semaphore, #tpu.memory_space<semaphore_mem>>) src(%dma_wait3A_88 : memref<15744xi32, #tpu.memory_space<hbm>>) dst(%arg5 : memref<15744xi32, #tpu.memory_space<vmem>>)
      tpu.yield
    }) : () -> ()
    %dma_start3A = arith.constant 0 : i32
    %dma_start3A_18 = tpu.memref_slice %arg3[%dma_start3A] : memref<2060602xi32, #tpu.memory_space<hbm>> -> memref<2060602xi32, #tpu.memory_space<hbm>>
    tpu.enqueue_indirect_dma source(%dma_start3A_18 : memref<2060602xi32, #tpu.memory_space<hbm>>) target(%arg6 : memref<15744xi32, #tpu.memory_space<vmem>>) offsets(%arg5 : memref<15744xi32, #tpu.memory_space<vmem>>) semaphore(%arg10 : memref<!tpu.dma_semaphore, #tpu.memory_space<semaphore_mem>>)
    %mul3A_19 = arith.constant 62528 : i32
    %mul3A_20 = arith.muli %arg1, %mul3A_19 : i32
    %add3A_21 = arith.constant 0 : i32
    %add3A_22 = arith.addi %mul3A_20, %add3A_21 : i32
    "tpu.region"() ({
      %run_scoped3A = tpu.sem_alloc : memref<!tpu.dma_semaphore, #tpu.memory_space<semaphore_mem>>
      %dma_start3A_85 = tpu.memref_slice %arg9[%add3A_22] : memref<1000448xi32, #tpu.memory_space<vmem_shared>> -> memref<15632xi32, #tpu.memory_space<vmem_shared>>
      %dma_start3A_86 = tpu.memref_slice %arg9[%add3A_22] : memref<1000448xi32, #tpu.memory_space<vmem_shared>> -> memref<15632xi32, #tpu.memory_space<vmem_shared>>
      tpu.enqueue_dma source(%arg8 : memref<15632xi32, #tpu.memory_space<vmem>>) target(%dma_start3A_86 : memref<15632xi32, #tpu.memory_space<vmem_shared>>) target_semaphore(%run_scoped3A : memref<!tpu.dma_semaphore, #tpu.memory_space<semaphore_mem>>)
      %dma_wait3A_87 = tpu.memref_slice %arg9[%add3A_22] : memref<1000448xi32, #tpu.memory_space<vmem_shared>> -> memref<15632xi32, #tpu.memory_space<vmem_shared>>
      %dma_wait3A_88 = tpu.memref_slice %arg9[%add3A_22] : memref<1000448xi32, #tpu.memory_space<vmem_shared>> -> memref<15632xi32, #tpu.memory_space<vmem_shared>>
      tpu.wait_dma2 semaphore(%run_scoped3A : memref<!tpu.dma_semaphore, #tpu.memory_space<semaphore_mem>>) src(%arg8 : memref<15632xi32, #tpu.memory_space<vmem>>) dst(%dma_wait3A_88 : memref<15632xi32, #tpu.memory_space<vmem_shared>>)
      tpu.yield
    }) : () -> ()
    %mul3A_23 = arith.constant 62528 : i32
    %mul3A_24 = arith.muli %arg1, %mul3A_23 : i32
    %add3A_25 = arith.constant 15632 : i32
    %add3A_26 = arith.addi %mul3A_24, %add3A_25 : i32
    "tpu.region"() ({
      %run_scoped3A = tpu.sem_alloc : memref<!tpu.dma_semaphore, #tpu.memory_space<semaphore_mem>>
      %dma_start3A_85 = tpu.memref_slice %arg9[%add3A_26] : memref<1000448xi32, #tpu.memory_space<vmem_shared>> -> memref<15632xi32, #tpu.memory_space<vmem_shared>>
      %dma_start3A_86 = tpu.memref_slice %arg9[%add3A_26] : memref<1000448xi32, #tpu.memory_space<vmem_shared>> -> memref<15632xi32, #tpu.memory_space<vmem_shared>>
      tpu.enqueue_dma source(%arg8 : memref<15632xi32, #tpu.memory_space<vmem>>) target(%dma_start3A_86 : memref<15632xi32, #tpu.memory_space<vmem_shared>>) target_semaphore(%run_scoped3A : memref<!tpu.dma_semaphore, #tpu.memory_space<semaphore_mem>>)
      %dma_wait3A_87 = tpu.memref_slice %arg9[%add3A_26] : memref<1000448xi32, #tpu.memory_space<vmem_shared>> -> memref<15632xi32, #tpu.memory_space<vmem_shared>>
      %dma_wait3A_88 = tpu.memref_slice %arg9[%add3A_26] : memref<1000448xi32, #tpu.memory_space<vmem_shared>> -> memref<15632xi32, #tpu.memory_space<vmem_shared>>
      tpu.wait_dma2 semaphore(%run_scoped3A : memref<!tpu.dma_semaphore, #tpu.memory_space<semaphore_mem>>) src(%arg8 : memref<15632xi32, #tpu.memory_space<vmem>>) dst(%dma_wait3A_88 : memref<15632xi32, #tpu.memory_space<vmem_shared>>)
      tpu.yield
    }) : () -> ()
    %mul3A_27 = arith.constant 62528 : i32
    %mul3A_28 = arith.muli %arg1, %mul3A_27 : i32
    %add3A_29 = arith.constant 31264 : i32
    %add3A_30 = arith.addi %mul3A_28, %add3A_29 : i32
    "tpu.region"() ({
      %run_scoped3A = tpu.sem_alloc : memref<!tpu.dma_semaphore, #tpu.memory_space<semaphore_mem>>
      %dma_start3A_85 = tpu.memref_slice %arg9[%add3A_30] : memref<1000448xi32, #tpu.memory_space<vmem_shared>> -> memref<15632xi32, #tpu.memory_space<vmem_shared>>
      %dma_start3A_86 = tpu.memref_slice %arg9[%add3A_30] : memref<1000448xi32, #tpu.memory_space<vmem_shared>> -> memref<15632xi32, #tpu.memory_space<vmem_shared>>
      tpu.enqueue_dma source(%arg8 : memref<15632xi32, #tpu.memory_space<vmem>>) target(%dma_start3A_86 : memref<15632xi32, #tpu.memory_space<vmem_shared>>) target_semaphore(%run_scoped3A : memref<!tpu.dma_semaphore, #tpu.memory_space<semaphore_mem>>)
      %dma_wait3A_87 = tpu.memref_slice %arg9[%add3A_30] : memref<1000448xi32, #tpu.memory_space<vmem_shared>> -> memref<15632xi32, #tpu.memory_space<vmem_shared>>
      %dma_wait3A_88 = tpu.memref_slice %arg9[%add3A_30] : memref<1000448xi32, #tpu.memory_space<vmem_shared>> -> memref<15632xi32, #tpu.memory_space<vmem_shared>>
      tpu.wait_dma2 semaphore(%run_scoped3A : memref<!tpu.dma_semaphore, #tpu.memory_space<semaphore_mem>>) src(%arg8 : memref<15632xi32, #tpu.memory_space<vmem>>) dst(%dma_wait3A_88 : memref<15632xi32, #tpu.memory_space<vmem_shared>>)
      tpu.yield
    }) : () -> ()
    %mul3A_31 = arith.constant 62528 : i32
    %mul3A_32 = arith.muli %arg1, %mul3A_31 : i32
    %add3A_33 = arith.constant 46896 : i32
    %add3A_34 = arith.addi %mul3A_32, %add3A_33 : i32
    "tpu.region"() ({
      %run_scoped3A = tpu.sem_alloc : memref<!tpu.dma_semaphore, #tpu.memory_space<semaphore_mem>>
      %dma_start3A_85 = tpu.memref_slice %arg9[%add3A_34] : memref<1000448xi32, #tpu.memory_space<vmem_shared>> -> memref<15632xi32, #tpu.memory_space<vmem_shared>>
      %dma_start3A_86 = tpu.memref_slice %arg9[%add3A_34] : memref<1000448xi32, #tpu.memory_space<vmem_shared>> -> memref<15632xi32, #tpu.memory_space<vmem_shared>>
      tpu.enqueue_dma source(%arg8 : memref<15632xi32, #tpu.memory_space<vmem>>) target(%dma_start3A_86 : memref<15632xi32, #tpu.memory_space<vmem_shared>>) target_semaphore(%run_scoped3A : memref<!tpu.dma_semaphore, #tpu.memory_space<semaphore_mem>>)
      %dma_wait3A_87 = tpu.memref_slice %arg9[%add3A_34] : memref<1000448xi32, #tpu.memory_space<vmem_shared>> -> memref<15632xi32, #tpu.memory_space<vmem_shared>>
      %dma_wait3A_88 = tpu.memref_slice %arg9[%add3A_34] : memref<1000448xi32, #tpu.memory_space<vmem_shared>> -> memref<15632xi32, #tpu.memory_space<vmem_shared>>
      tpu.wait_dma2 semaphore(%run_scoped3A : memref<!tpu.dma_semaphore, #tpu.memory_space<semaphore_mem>>) src(%arg8 : memref<15632xi32, #tpu.memory_space<vmem>>) dst(%dma_wait3A_88 : memref<15632xi32, #tpu.memory_space<vmem_shared>>)
      tpu.yield
    }) : () -> ()
    %dma_wait3A = arith.constant 0 : i32
    %dma_wait3A_35 = tpu.memref_slice %arg3[%dma_wait3A] : memref<2060602xi32, #tpu.memory_space<hbm>> -> memref<2060602xi32, #tpu.memory_space<hbm>>
    tpu.wait_indirect_dma semaphore(%arg10 : memref<!tpu.dma_semaphore, #tpu.memory_space<semaphore_mem>>) src(%dma_wait3A_35 : memref<2060602xi32, #tpu.memory_space<hbm>>) dst(%arg6 : memref<15744xi32, #tpu.memory_space<vmem>>)
    %barrier3A = arith.constant 0 : index
    tpu.barrier barrier_id(%barrier3A)
    %dma_start3A_36 = arith.constant 0 : i32
    %dma_start3A_37 = tpu.memref_slice %arg9[%dma_start3A_36] : memref<1000448xi32, #tpu.memory_space<vmem_shared>> -> memref<1000448xi32, #tpu.memory_space<vmem_shared>>
    tpu.enqueue_indirect_dma source(%arg7 : memref<15744xi32, #tpu.memory_space<vmem>>) target(%dma_start3A_37 : memref<1000448xi32, #tpu.memory_space<vmem_shared>>) offsets(%arg6 : memref<15744xi32, #tpu.memory_space<vmem>>) semaphore(%arg11 : memref<!tpu.dma_semaphore, #tpu.memory_space<semaphore_mem>>)
    %dma_wait3A_38 = arith.constant 0 : i32
    %dma_wait3A_39 = tpu.memref_slice %arg9[%dma_wait3A_38] : memref<1000448xi32, #tpu.memory_space<vmem_shared>> -> memref<1000448xi32, #tpu.memory_space<vmem_shared>>
    tpu.wait_indirect_dma semaphore(%arg11 : memref<!tpu.dma_semaphore, #tpu.memory_space<semaphore_mem>>) src(%arg7 : memref<15744xi32, #tpu.memory_space<vmem>>) dst(%dma_wait3A_39 : memref<1000448xi32, #tpu.memory_space<vmem_shared>>)
    %barrier3A_40 = arith.constant 0 : index
    tpu.barrier barrier_id(%barrier3A_40)
    %mul3A_41 = arith.constant 62528 : i32
    %mul3A_42 = arith.muli %arg1, %mul3A_41 : i32
    %add3A_43 = arith.constant 0 : i32
    %add3A_44 = arith.addi %mul3A_42, %add3A_43 : i32
    "tpu.region"() ({
      %run_scoped3A = tpu.sem_alloc : memref<!tpu.dma_semaphore, #tpu.memory_space<semaphore_mem>>
      %dma_start3A_85 = tpu.memref_slice %arg9[%add3A_44] : memref<1000448xi32, #tpu.memory_space<vmem_shared>> -> memref<15632xi32, #tpu.memory_space<vmem_shared>>
      %dma_start3A_86 = tpu.memref_slice %arg9[%add3A_44] : memref<1000448xi32, #tpu.memory_space<vmem_shared>> -> memref<15632xi32, #tpu.memory_space<vmem_shared>>
      tpu.enqueue_dma source(%dma_start3A_86 : memref<15632xi32, #tpu.memory_space<vmem_shared>>) target(%arg8 : memref<15632xi32, #tpu.memory_space<vmem>>) target_semaphore(%run_scoped3A : memref<!tpu.dma_semaphore, #tpu.memory_space<semaphore_mem>>)
      %dma_wait3A_87 = tpu.memref_slice %arg9[%add3A_44] : memref<1000448xi32, #tpu.memory_space<vmem_shared>> -> memref<15632xi32, #tpu.memory_space<vmem_shared>>
      %dma_wait3A_88 = tpu.memref_slice %arg9[%add3A_44] : memref<1000448xi32, #tpu.memory_space<vmem_shared>> -> memref<15632xi32, #tpu.memory_space<vmem_shared>>
      tpu.wait_dma2 semaphore(%run_scoped3A : memref<!tpu.dma_semaphore, #tpu.memory_space<semaphore_mem>>) src(%dma_wait3A_88 : memref<15632xi32, #tpu.memory_space<vmem_shared>>) dst(%arg8 : memref<15632xi32, #tpu.memory_space<vmem>>)
      tpu.yield
    }) : () -> ()
    %mul3A_45 = arith.constant 1000448 : i32
    %mul3A_46 = arith.muli %arg0, %mul3A_45 : i32
    %mul3A_47 = arith.constant 62528 : i32
    %mul3A_48 = arith.muli %arg1, %mul3A_47 : i32
    %add3A_49 = arith.addi %mul3A_46, %mul3A_48 : i32
    %add3A_50 = arith.constant 0 : i32
    %add3A_51 = arith.addi %add3A_49, %add3A_50 : i32
    "tpu.region"() ({
      %run_scoped3A = tpu.sem_alloc : memref<!tpu.dma_semaphore, #tpu.memory_space<semaphore_mem>>
      %dma_start3A_85 = tpu.memref_slice %arg4[%add3A_51] : memref<2000896xi32, #tpu.memory_space<hbm>> -> memref<15632xi32, #tpu.memory_space<hbm>>
      %dma_start3A_86 = tpu.memref_slice %arg4[%add3A_51] : memref<2000896xi32, #tpu.memory_space<hbm>> -> memref<15632xi32, #tpu.memory_space<hbm>>
      tpu.enqueue_dma source(%arg8 : memref<15632xi32, #tpu.memory_space<vmem>>) target(%dma_start3A_86 : memref<15632xi32, #tpu.memory_space<hbm>>) target_semaphore(%run_scoped3A : memref<!tpu.dma_semaphore, #tpu.memory_space<semaphore_mem>>)
      %dma_wait3A_87 = tpu.memref_slice %arg4[%add3A_51] : memref<2000896xi32, #tpu.memory_space<hbm>> -> memref<15632xi32, #tpu.memory_space<hbm>>
      %dma_wait3A_88 = tpu.memref_slice %arg4[%add3A_51] : memref<2000896xi32, #tpu.memory_space<hbm>> -> memref<15632xi32, #tpu.memory_space<hbm>>
      tpu.wait_dma2 semaphore(%run_scoped3A : memref<!tpu.dma_semaphore, #tpu.memory_space<semaphore_mem>>) src(%arg8 : memref<15632xi32, #tpu.memory_space<vmem>>) dst(%dma_wait3A_88 : memref<15632xi32, #tpu.memory_space<hbm>>)
      tpu.yield
    }) : () -> ()
    %mul3A_52 = arith.constant 62528 : i32
    %mul3A_53 = arith.muli %arg1, %mul3A_52 : i32
    %add3A_54 = arith.constant 15632 : i32
    %add3A_55 = arith.addi %mul3A_53, %add3A_54 : i32
    "tpu.region"() ({
      %run_scoped3A = tpu.sem_alloc : memref<!tpu.dma_semaphore, #tpu.memory_space<semaphore_mem>>
      %dma_start3A_85 = tpu.memref_slice %arg9[%add3A_55] : memref<1000448xi32, #tpu.memory_space<vmem_shared>> -> memref<15632xi32, #tpu.memory_space<vmem_shared>>
      %dma_start3A_86 = tpu.memref_slice %arg9[%add3A_55] : memref<1000448xi32, #tpu.memory_space<vmem_shared>> -> memref<15632xi32, #tpu.memory_space<vmem_shared>>
      tpu.enqueue_dma source(%dma_start3A_86 : memref<15632xi32, #tpu.memory_space<vmem_shared>>) target(%arg8 : memref<15632xi32, #tpu.memory_space<vmem>>) target_semaphore(%run_scoped3A : memref<!tpu.dma_semaphore, #tpu.memory_space<semaphore_mem>>)
      %dma_wait3A_87 = tpu.memref_slice %arg9[%add3A_55] : memref<1000448xi32, #tpu.memory_space<vmem_shared>> -> memref<15632xi32, #tpu.memory_space<vmem_shared>>
      %dma_wait3A_88 = tpu.memref_slice %arg9[%add3A_55] : memref<1000448xi32, #tpu.memory_space<vmem_shared>> -> memref<15632xi32, #tpu.memory_space<vmem_shared>>
      tpu.wait_dma2 semaphore(%run_scoped3A : memref<!tpu.dma_semaphore, #tpu.memory_space<semaphore_mem>>) src(%dma_wait3A_88 : memref<15632xi32, #tpu.memory_space<vmem_shared>>) dst(%arg8 : memref<15632xi32, #tpu.memory_space<vmem>>)
      tpu.yield
    }) : () -> ()
    %mul3A_56 = arith.constant 1000448 : i32
    %mul3A_57 = arith.muli %arg0, %mul3A_56 : i32
    %mul3A_58 = arith.constant 62528 : i32
    %mul3A_59 = arith.muli %arg1, %mul3A_58 : i32
    %add3A_60 = arith.addi %mul3A_57, %mul3A_59 : i32
    %add3A_61 = arith.constant 15632 : i32
    %add3A_62 = arith.addi %add3A_60, %add3A_61 : i32
    "tpu.region"() ({
      %run_scoped3A = tpu.sem_alloc : memref<!tpu.dma_semaphore, #tpu.memory_space<semaphore_mem>>
      %dma_start3A_85 = tpu.memref_slice %arg4[%add3A_62] : memref<2000896xi32, #tpu.memory_space<hbm>> -> memref<15632xi32, #tpu.memory_space<hbm>>
      %dma_start3A_86 = tpu.memref_slice %arg4[%add3A_62] : memref<2000896xi32, #tpu.memory_space<hbm>> -> memref<15632xi32, #tpu.memory_space<hbm>>
      tpu.enqueue_dma source(%arg8 : memref<15632xi32, #tpu.memory_space<vmem>>) target(%dma_start3A_86 : memref<15632xi32, #tpu.memory_space<hbm>>) target_semaphore(%run_scoped3A : memref<!tpu.dma_semaphore, #tpu.memory_space<semaphore_mem>>)
      %dma_wait3A_87 = tpu.memref_slice %arg4[%add3A_62] : memref<2000896xi32, #tpu.memory_space<hbm>> -> memref<15632xi32, #tpu.memory_space<hbm>>
      %dma_wait3A_88 = tpu.memref_slice %arg4[%add3A_62] : memref<2000896xi32, #tpu.memory_space<hbm>> -> memref<15632xi32, #tpu.memory_space<hbm>>
      tpu.wait_dma2 semaphore(%run_scoped3A : memref<!tpu.dma_semaphore, #tpu.memory_space<semaphore_mem>>) src(%arg8 : memref<15632xi32, #tpu.memory_space<vmem>>) dst(%dma_wait3A_88 : memref<15632xi32, #tpu.memory_space<hbm>>)
      tpu.yield
    }) : () -> ()
    %mul3A_63 = arith.constant 62528 : i32
    %mul3A_64 = arith.muli %arg1, %mul3A_63 : i32
    %add3A_65 = arith.constant 31264 : i32
    %add3A_66 = arith.addi %mul3A_64, %add3A_65 : i32
    "tpu.region"() ({
      %run_scoped3A = tpu.sem_alloc : memref<!tpu.dma_semaphore, #tpu.memory_space<semaphore_mem>>
      %dma_start3A_85 = tpu.memref_slice %arg9[%add3A_66] : memref<1000448xi32, #tpu.memory_space<vmem_shared>> -> memref<15632xi32, #tpu.memory_space<vmem_shared>>
      %dma_start3A_86 = tpu.memref_slice %arg9[%add3A_66] : memref<1000448xi32, #tpu.memory_space<vmem_shared>> -> memref<15632xi32, #tpu.memory_space<vmem_shared>>
      tpu.enqueue_dma source(%dma_start3A_86 : memref<15632xi32, #tpu.memory_space<vmem_shared>>) target(%arg8 : memref<15632xi32, #tpu.memory_space<vmem>>) target_semaphore(%run_scoped3A : memref<!tpu.dma_semaphore, #tpu.memory_space<semaphore_mem>>)
      %dma_wait3A_87 = tpu.memref_slice %arg9[%add3A_66] : memref<1000448xi32, #tpu.memory_space<vmem_shared>> -> memref<15632xi32, #tpu.memory_space<vmem_shared>>
      %dma_wait3A_88 = tpu.memref_slice %arg9[%add3A_66] : memref<1000448xi32, #tpu.memory_space<vmem_shared>> -> memref<15632xi32, #tpu.memory_space<vmem_shared>>
      tpu.wait_dma2 semaphore(%run_scoped3A : memref<!tpu.dma_semaphore, #tpu.memory_space<semaphore_mem>>) src(%dma_wait3A_88 : memref<15632xi32, #tpu.memory_space<vmem_shared>>) dst(%arg8 : memref<15632xi32, #tpu.memory_space<vmem>>)
      tpu.yield
    }) : () -> ()
    %mul3A_67 = arith.constant 1000448 : i32
    %mul3A_68 = arith.muli %arg0, %mul3A_67 : i32
    %mul3A_69 = arith.constant 62528 : i32
    %mul3A_70 = arith.muli %arg1, %mul3A_69 : i32
    %add3A_71 = arith.addi %mul3A_68, %mul3A_70 : i32
    %add3A_72 = arith.constant 31264 : i32
    %add3A_73 = arith.addi %add3A_71, %add3A_72 : i32
    "tpu.region"() ({
      %run_scoped3A = tpu.sem_alloc : memref<!tpu.dma_semaphore, #tpu.memory_space<semaphore_mem>>
      %dma_start3A_85 = tpu.memref_slice %arg4[%add3A_73] : memref<2000896xi32, #tpu.memory_space<hbm>> -> memref<15632xi32, #tpu.memory_space<hbm>>
      %dma_start3A_86 = tpu.memref_slice %arg4[%add3A_73] : memref<2000896xi32, #tpu.memory_space<hbm>> -> memref<15632xi32, #tpu.memory_space<hbm>>
      tpu.enqueue_dma source(%arg8 : memref<15632xi32, #tpu.memory_space<vmem>>) target(%dma_start3A_86 : memref<15632xi32, #tpu.memory_space<hbm>>) target_semaphore(%run_scoped3A : memref<!tpu.dma_semaphore, #tpu.memory_space<semaphore_mem>>)
      %dma_wait3A_87 = tpu.memref_slice %arg4[%add3A_73] : memref<2000896xi32, #tpu.memory_space<hbm>> -> memref<15632xi32, #tpu.memory_space<hbm>>
      %dma_wait3A_88 = tpu.memref_slice %arg4[%add3A_73] : memref<2000896xi32, #tpu.memory_space<hbm>> -> memref<15632xi32, #tpu.memory_space<hbm>>
      tpu.wait_dma2 semaphore(%run_scoped3A : memref<!tpu.dma_semaphore, #tpu.memory_space<semaphore_mem>>) src(%arg8 : memref<15632xi32, #tpu.memory_space<vmem>>) dst(%dma_wait3A_88 : memref<15632xi32, #tpu.memory_space<hbm>>)
      tpu.yield
    }) : () -> ()
    %mul3A_74 = arith.constant 62528 : i32
    %mul3A_75 = arith.muli %arg1, %mul3A_74 : i32
    %add3A_76 = arith.constant 46896 : i32
    %add3A_77 = arith.addi %mul3A_75, %add3A_76 : i32
    "tpu.region"() ({
      %run_scoped3A = tpu.sem_alloc : memref<!tpu.dma_semaphore, #tpu.memory_space<semaphore_mem>>
      %dma_start3A_85 = tpu.memref_slice %arg9[%add3A_77] : memref<1000448xi32, #tpu.memory_space<vmem_shared>> -> memref<15632xi32, #tpu.memory_space<vmem_shared>>
      %dma_start3A_86 = tpu.memref_slice %arg9[%add3A_77] : memref<1000448xi32, #tpu.memory_space<vmem_shared>> -> memref<15632xi32, #tpu.memory_space<vmem_shared>>
      tpu.enqueue_dma source(%dma_start3A_86 : memref<15632xi32, #tpu.memory_space<vmem_shared>>) target(%arg8 : memref<15632xi32, #tpu.memory_space<vmem>>) target_semaphore(%run_scoped3A : memref<!tpu.dma_semaphore, #tpu.memory_space<semaphore_mem>>)
      %dma_wait3A_87 = tpu.memref_slice %arg9[%add3A_77] : memref<1000448xi32, #tpu.memory_space<vmem_shared>> -> memref<15632xi32, #tpu.memory_space<vmem_shared>>
      %dma_wait3A_88 = tpu.memref_slice %arg9[%add3A_77] : memref<1000448xi32, #tpu.memory_space<vmem_shared>> -> memref<15632xi32, #tpu.memory_space<vmem_shared>>
      tpu.wait_dma2 semaphore(%run_scoped3A : memref<!tpu.dma_semaphore, #tpu.memory_space<semaphore_mem>>) src(%dma_wait3A_88 : memref<15632xi32, #tpu.memory_space<vmem_shared>>) dst(%arg8 : memref<15632xi32, #tpu.memory_space<vmem>>)
      tpu.yield
    }) : () -> ()
    %mul3A_78 = arith.constant 1000448 : i32
    %mul3A_79 = arith.muli %arg0, %mul3A_78 : i32
    %mul3A_80 = arith.constant 62528 : i32
    %mul3A_81 = arith.muli %arg1, %mul3A_80 : i32
    %add3A_82 = arith.addi %mul3A_79, %mul3A_81 : i32
    %add3A_83 = arith.constant 46896 : i32
    %add3A_84 = arith.addi %add3A_82, %add3A_83 : i32
    "tpu.region"() ({
      %run_scoped3A = tpu.sem_alloc : memref<!tpu.dma_semaphore, #tpu.memory_space<semaphore_mem>>
      %dma_start3A_85 = tpu.memref_slice %arg4[%add3A_84] : memref<2000896xi32, #tpu.memory_space<hbm>> -> memref<15632xi32, #tpu.memory_space<hbm>>
      %dma_start3A_86 = tpu.memref_slice %arg4[%add3A_84] : memref<2000896xi32, #tpu.memory_space<hbm>> -> memref<15632xi32, #tpu.memory_space<hbm>>
      tpu.enqueue_dma source(%arg8 : memref<15632xi32, #tpu.memory_space<vmem>>) target(%dma_start3A_86 : memref<15632xi32, #tpu.memory_space<hbm>>) target_semaphore(%run_scoped3A : memref<!tpu.dma_semaphore, #tpu.memory_space<semaphore_mem>>)
      %dma_wait3A_87 = tpu.memref_slice %arg4[%add3A_84] : memref<2000896xi32, #tpu.memory_space<hbm>> -> memref<15632xi32, #tpu.memory_space<hbm>>
      %dma_wait3A_88 = tpu.memref_slice %arg4[%add3A_84] : memref<2000896xi32, #tpu.memory_space<hbm>> -> memref<15632xi32, #tpu.memory_space<hbm>>
      tpu.wait_dma2 semaphore(%run_scoped3A : memref<!tpu.dma_semaphore, #tpu.memory_space<semaphore_mem>>) src(%arg8 : memref<15632xi32, #tpu.memory_space<vmem>>) dst(%dma_wait3A_88 : memref<15632xi32, #tpu.memory_space<hbm>>)
      tpu.yield
    }) : () -> ()
    return
  }
}

</mosaic_0001>

<sc_bundles>
// kernel: kernel.4.cloned.1.call-start
scs
__scs_entry_jumppad:
0x0: {  	(pc) =	sbr.rel $0x88, $3  }
0x1: {  	(tag) =	ssettag $0x0;
	lr =	simm.s32 $0x1  }
0x2: {  	[smem:$0x3F9D] =	sst lr;
	_ =	strace $0xD0000000  }
0x3: {  	_ = 	snop  }
0x4: {  	_ = 	snop  }
0x5: {  	_ = 	snop  }
0x6: {  	_ = 	snop  }
0x7: {  	_ = 	snop  }
__scs_overlays_trampoline_lowered:
0x8: {  	[smem:$0x3FAC] =	sst s0  }
0x9: {  	[smem:$0x3FAD] =	sst s1  }
0xa: {  	[smem:$0x3FAE] =	sst s2  }
0xb: {  	[smem:$0x3FAF] =	sst s3  }
0xc: {  	[smem:$0x3FB0] =	sst s4  }
0xd: {  	[smem:$0x3FB1] =	sst s5  }
0xe: {  	[smem:$0x3FB2] =	sst s6  }
0xf: {  	[smem:$0x3FB3] =	sst s7  }
0x10: {  	[smem:$0x3FB4] =	sst s8  }
0x11: {  	[smem:$0x3FB5] =	sst s9;
	s0 =	simm.s32 @!p0 $0x0  }
0x12: {  	s1 =	sld [smem:$0x3F9B];
	s0 =	simm.s32 @p0 $0x1  }
0x13: {  	[smem:$0x3FB6] =	sst s0;
	s0 =	simm.s32 @!p1 $0x0  }
0x14: {  	s2 =	sld [smem:$0x3F9A];
	s0 =	simm.s32 @p1 $0x1  }
0x15: {  	[smem:$0x3FB7] =	sst s0;
	s0 =	simm.s32 @!p2 $0x0  }
0x16: {  	s3 =	sld [smem:$0x3FDB];
	s0 =	simm.s32 @p2 $0x1  }
0x17: {  	s4 =	simm.s32 $0x1BF5;
	[smem:$0x3FB9] =	sst s0  }
0x18: {  	s0 =	sld [smem:$0x3F9C];
	_ =	swait.ge [sflag:s4], $0x0  }
0x19: {  	s7 =	sld [smem:$0x3F9D]  }
0x1a: {  	s8 =	sadd.s32 $0xFFFFE003, lr  }
0x1b: {  	s9 =	sadd.s32 $0xFFFFFEF7, lr;
	s5 =	simm.s32 $0xFFFFFFFF;
	p2 =	slt.u32 s8, $0xFFFFF086  }
0x1c: {  	p1 =	slt.u32 s9, $0xF7A;
	s5 =	simm.s32 @!p2 $0x0  }
0x1d: {  	s5 =	simm.s32 @p1 $0x1;
	p0 =	seq.s32 s7, s2  }
0x1e: {  	s7 =	smul.u32 @!p0 $0xF7A, s2;
	p2 =	seq.s32 @!p0 s5, $0x0  }
0x1f: {  	s9 =	smul.u32 $0xF7A, s1;
	s8 =	simm.s32 @!p0 $0x1BF5;
	p2 =	por !p2, p0  }
0x20: {  	[sflag:s8] =	ssyncset.s32 @!p0 $0xFFFFF086;
	s6 =	sadd.s32 @!p0 s3, s7;
	s7 =	simm.s32 @!p0 $0x108  }
0x21: {  	s3 =	sadd.s32 s3, s9;
	s6 =	sadd.s32 @!p0 $0x88, s6;
	s7 =	simm.s32 @p2 $0x1082  }
0x22: {  	[simem:s7], [sflag:s8] =	dma.local @!p0 [hbm:s6], $0xF7A  }
0x23: {  	s9 =	sor.u32 $0xD0000000, s2;
	s6 =	simm.s32 $0x108;
	_ =	swait.ge @!p0 [sflag:s8], $0x0  }
0x24: {  	s3 =	sadd.s32 $0x88, s3;
	s6 =	simm.s32 @!p1 $0x1082;
	[sflag:s4] =	ssyncset.s32 $0xFFFFF086  }
0x25: {  	[simem:s6], [sflag:s4] =	dma.local [hbm:s3], $0xF7A  }
0x26: {  	[smem:$0x3F9D] =	sst s1;
	(tag) =	ssettag s2;
	_ =	strace s9  }
0x27: {  	s1 =	sld [smem:$0x3FAD]  }
0x28: {  	s2 =	sld [smem:$0x3FAE]  }
0x29: {  	s4 =	sld [smem:$0x3FB0]  }
0x2a: {  	p0 =	seq.s32 s5, $0x0;
	s5 =	sld [smem:$0x3FB1]  }
0x2b: {  	s6 =	sld [smem:$0x3FB2]  }
0x2c: {  	s7 =	sld [smem:$0x3FB3]  }
0x2d: {  	s3 =	simm.s32 $0x108;
	s8 =	sld [smem:$0x3FB4]  }
0x2e: {  	s3 =	simm.s32 @!p0 $0x1082;
	s9 =	sld [smem:$0x3FB5]  }
0x2f: {  	lr =	sadd.s32 s0, s3;
	s0 =	sld [smem:$0x3FAC]  }
0x30: {  	s3 =	sld [smem:$0x3FAF]  }
0x31: {  	[smem:$0x3FB8] =	sst s10  }
0x32: {  	s10 =	sld [smem:$0x3FB6];
	_ =	sdelay $0x3  }
0x33: {  	p0 =	seq.s32 s10, $0x1;
	s10 =	sld [smem:$0x3FB8];
	_ =	sdelay $0x3  }
0x34: {  	[smem:$0x3FB8] =	sst s10  }
0x35: {  	s10 =	sld [smem:$0x3FB7];
	_ =	sdelay $0x3  }
0x36: {  	p1 =	seq.s32 s10, $0x1;
	s10 =	sld [smem:$0x3FB8];
	_ =	sdelay $0x3  }
0x37: {  	[smem:$0x3FB8] =	sst s10  }
0x38: {  	s10 =	sld [smem:$0x3FB9]  }
0x39: {  	_ = 	snop;
	(pc) =	sbr.ind lr, $3  }
0x3a: {  	_ = 	snop  }
0x3b: {  	_ = 	snop  }
0x3c: {  	p2 =	seq.s32 s10, $0x1;
	s10 =	sld [smem:$0x3FB8]  }
0x3d: {  	_ =	shalt  }
0x3e: {  	_ =	shalt  }
0x3f: {  	_ =	shalt  }
0x40: {  	_ =	shalt  }
0x41: {  	_ =	shalt  }
0x42: {  	_ =	shalt  }
0x43: {  	_ =	shalt  }
0x44: {  	_ =	shalt  }
0x45: {  	_ =	shalt  }
0x46: {  	_ =	shalt  }
0x47: {  	_ =	shalt  }
0x48: {  	_ =	shalt  }
0x49: {  	_ =	shalt  }
0x4a: {  	_ =	shalt  }
0x4b: {  	_ =	shalt  }
0x4c: {  	_ =	shalt  }
0x4d: {  	_ =	shalt  }
0x4e: {  	_ =	shalt  }
0x4f: {  	_ =	shalt  }
0x50: {  	_ =	shalt  }
0x51: {  	_ =	shalt  }
0x52: {  	_ =	shalt  }
0x53: {  	_ =	shalt  }
0x54: {  	_ =	shalt  }
0x55: {  	_ =	shalt  }
0x56: {  	_ =	shalt  }
0x57: {  	_ =	shalt  }
0x58: {  	_ =	shalt  }
0x59: {  	_ =	shalt  }
0x5a: {  	_ =	shalt  }
0x5b: {  	_ =	shalt  }
0x5c: {  	_ =	shalt  }
0x5d: {  	_ =	shalt  }
0x5e: {  	_ =	shalt  }
0x5f: {  	_ =	shalt  }
0x60: {  	_ =	shalt  }
0x61: {  	_ =	shalt  }
0x62: {  	_ =	shalt  }
0x63: {  	_ =	shalt  }
0x64: {  	_ =	shalt  }
0x65: {  	_ =	shalt  }
0x66: {  	_ =	shalt  }
0x67: {  	_ =	shalt  }
0x68: {  	_ =	shalt  }
0x69: {  	_ =	shalt  }
0x6a: {  	_ =	shalt  }
0x6b: {  	_ =	shalt  }
0x6c: {  	_ =	shalt  }
0x6d: {  	_ =	shalt  }
0x6e: {  	_ =	shalt  }
0x6f: {  	_ =	shalt  }
0x70: {  	_ =	shalt  }
0x71: {  	_ =	shalt  }
0x72: {  	_ =	shalt  }
0x73: {  	_ =	shalt  }
0x74: {  	_ =	shalt  }
0x75: {  	_ =	shalt  }
0x76: {  	_ =	shalt  }
0x77: {  	_ =	shalt  }
0x78: {  	_ =	shalt  }
0x79: {  	_ =	shalt  }
0x7a: {  	_ =	shalt  }
0x7b: {  	_ =	shalt  }
0x7c: {  	_ =	shalt  }
0x7d: {  	_ =	shalt  }
0x7e: {  	_ =	shalt  }
0x7f: {  	_ =	shalt  }
0x80: {  	_ =	shalt  }
0x81: {  	_ =	shalt  }
0x82: {  	_ =	shalt  }
0x83: {  	_ =	shalt  }
0x84: {  	_ =	shalt  }
0x85: {  	_ =	shalt  }
0x86: {  	_ =	shalt  }
0x87: {  	_ =	shalt  }
.Lfunc_end0:
.L_simem_size_0:
called_computation_lowered:
.L_overlay_start_0:
0x88: {  	s2 =	sld [smem:$0x3FD9]  }
0x89: {  	s3 =	sld [smem:$0x3FFE];
	_ =	sdelay $0x1  }
0x8a: {  	s1 =	srdreg.scid  }
0x8b: {  	s0 =	sand.u32 $0x1, s1  }
0x8c: {  	s17 =	sshll.u32 s0, $0xA;
	s2 =	sadd.s32 s3, s2  }
0x8d: {  	s2 =	sadd.s32 s2, s17  }
0x8e: {  	[smem:$0x3FC4] =	sst s2  }
0x8f: {  	_ = 	snop  }
0x90: {  	s2 =	sld [smem:$0x3FD0];
	(tm) =	ssettm $0x1  }
0x91: {  	s18 =	sld [smem:$0x3FFB];
	_ =	sdelay $0x3  }
0x92: {  	_ =	strace s18  }
0x93: {  	s3 =	sld [smem:$0x3FFC];
	_ =	sdelay $0x3  }
0x94: {  	_ =	strace s3  }
0x95: {  	s3 =	sld [smem:$0x3FFD];
	_ =	sdelay $0x3  }
0x96: {  	_ =	strace s3  }
0x97: {  	_ =	strace $0x8FFFFFFF  }
0x98: {  	s19 =	sld [smem:$0x3FDB];
	_ =	sdelay $0x1  }
0x99: {  	s4 =	simm.s32 $_scs_section_size  }
0x9a: {  	s5 =	simm.s32 $_size__tile_overlayer_lowered;
	s6 =	simm.s32 $_tile_overlayer_lowered  }
0x9b: {  	s22 =	simm.s32 $0x1BFF;
	s21 =	sshll.u32 s6, $0x1;
	s3 =	sadd.s32 s4, s19  }
0x9c: {  	s7 =	simm.s32 $0x0;
	s20 =	sshll.u32 s5, $0x1;
	s5 =	sadd.s32 s21, s3  }
0x9d: {  	[timem:s7], [sflag:s22] =	dma.local [hbm:s5], s20  }
0x9e: {  	_ =	swait.ge [sflag:s22], s20  }
0x9f: {  	s4 =	ssub.s32 $0x0, s20;
	[sflag:s22] =	ssyncset.done $0x0  }
0xa0: {  	[sflag:s22] =	ssyncadd.s32 s4;
	_ =	sdelay $0x1  }
0xa1: {  	s23 =	simm.s32 $0x1B8B  }
0xa2: {  	_ =	swait.ge [sflag:s23], $0x1  }
0xa3: {  	[sflag:s23] =	ssyncset.done $0x0  }
0xa4: {  	s25 =	simm.s32 $0x1B8E;
	s24 =	sld [smem:$0x3FFE];
	[sflag:s23] =	ssyncadd.s32 $0xFFFFFFFF  }
0xa5: {  	s26 =	simm.s32 $execute0_lowered;
	[smem:$0x3FD2] =	sst s25  }
0xa6: {  	s5 =	sshll.u32 s26, $0x1;
	_ =	strace $0x80000046;
	[dreg:$0x1] =	wrdreg $0xFFFFFFFF  }
0xa7: {  	s28 =	simm.s32 $_size_execute0_lowered;
	s3 =	sadd.s32 s3, s5;
	[dreg:$0x0] =	wrdreg $0x0  }
0xa8: {  	s5 =	sshll.u32 s28, $0x1;
	[dreg:$0x2] =	wrdreg s3  }
0xa9: {  	[dreg:$0x3] =	wrdreg s5  }
0xaa: {  	[dreg:$0x4] =	wrdreg $0xC0  }
0xab: {  	_ =	task [dreg:s7], $0x5FFFF  }
0xac: {  	[dreg:$0x1] =	wrdreg $0xFFFFFFFF  }
0xad: {  	[dreg:$0x0] =	wrdreg $0x60  }
0xae: {  	[dreg:$0x2] =	wrdreg s2  }
0xaf: {  	[dreg:$0x3] =	wrdreg s24  }
0xb0: {  	[dreg:$0x4] =	wrdreg $0xF6000  }
0xb1: {  	[dreg:$0x5] =	wrdreg $0x9  }
0xb2: {  	_ =	task.clear_ibuf [dreg:s7], $0x6FFFF;
	_ =	strace $0x90000046  }
0xb3: {  	s29 =	simm.s32 $0x9;
	_ =	strace $0x80000048  }
0xb4: {  	_ =	swait.ge [sflag:s29], $0x1  }
0xb5: {  	[sflag:s29] =	ssyncadd.s32 $0xFFFFFFFF  }
0xb6: {  	_ =	strace $0x90000048  }
0xb7: {  	_ =	sfence  }
0xb8: {  	s30 =	sld [smem:$0x0];
	_ =	sdelay $0x2  }
0xb9: {  	s31 =	sshll.u32 s1, $0xD;
	s1 =	sshrl.u32 s1, $0x2  }
0xba: {  	s3 =	sand.u32 $0x4000, s31;
	s1 =	sadd.s32 s1, s30  }
0xbb: {  	s0 =	sor.u32 s3, s0;
	s1 =	sshll.u32 s1, $0x11  }
0xbc: {  	s0 =	sor.u32 s1, s0  }
0xbd: {  	s0 =	sadd.s32 $0x8F2B, s0  }
0xbe: {  	[sflag:s0] =	ssyncadd.remote.s32 $0x1  }
0xbf: {  	_ =	sfence.sel $0xFFFF  }
0xc0: {  	[dreg:$0x0] =	wrdreg $0xFFFFFFFF;
	(pc) =	sbr.abs _section_cstart, $3  }
0xc1: {  	[dreg:$0x1] =	wrdreg $0xFFFFFFFF  }
0xc2: {  	_ =	task.clear_ibuf [dreg:s7], $0x2FFFF;
	_ =	strace $0x9FFFFFFF  }
0xc3: {  	(tm) =	ssettm $0x7FFFFFFF  }
tec
execute0_lowered:
.L_overlay_start_1:
0x0: {  	(tag) =	ssettag $0x1  }
0x1: {  	s5 =	rddreg [dreg:$0x0]  }
0x2: {  	s2 =	rddreg [dreg:$0x1]  }
0x3: {  	s3 =	rddreg [dreg:$0x2]  }
0x4: {  	s0 =	rddreg [dreg:$0x3]  }
0x5: {  	s4 =	srdreg.scid;
	s1 =	stileid.u32;
	s15 =	simm.s32 $0x3  }
0x6: {  	s16 =	simm.s32 $0x3D80;
	s17 =	simm.s32 $0xB880;
	s18 =	simm.s32 $0x1  }
0x7: {  	s19 =	simm.s32 $0x7B00;
	s20 =	simm.s32 $0x2;
	s21 =	simm.s32 $0x0  }
0x8: {  	s6 =	sand.u32 $0x1, s4;
	s7 =	smul.u32 $0xF440, s1;
	s8 =	sshll.u32 s1, $0x1  }
0x9: {  	s4 =	simm.s32 $0x0;
	s9 =	smul.u32 $0xF4400, s6;
	s8 =	sor.u32 s6, s8  }
0xa: {  	[smem:$0x7FF] =	sst s4;
	s6 =	ssub.s32 $0x2, s6;
	s8 =	smul.u32 $0x3D08, s8  }
0xb: {  	_ =	strace $0x80000047;
	s31 =	sshrl.u32 s6, $0x1;
	s9 =	sadd.s32 s7, s9  }
0xc: {  	s14 =	ssub.s32 s6, s31;
	s6 =	sadd.s32 s7, s3;
	s9 =	sshrl.u32 s9, $0x3  }
0xd: {  	s8 =	smin.u32 s8, $0x763A0;
	s7 =	sadd.s32 $0x3D10, s6;
	s14 =	smax.u32 s14, $0x1  }
0xe: {  	s13 =	sadd.s32 s9, s2;
	s8 =	sshrl.u32 s8, $0x3;
	s9 =	sadd.s32 $0xB730, s6  }
0xf: {  	s5 =	sadd.s32 s5, s8;
	s8 =	sadd.s32 $0x7A20, s6;
	s10 =	sadd.s32 $0x3F000, s13  }
0x10: {  	v0 =	vimm.s32 $0x1;
	v1 =	vimm.s32 $0x0;
	s11 =	sadd.s32 $0x3F7A2, s13;
	s12 =	sadd.s32 $0x3FF44, s13;
	s13 =	sadd.s32 $0x406E6, s13  }
.LBB2_1:
0x11: {  	s22 =	simm.s32 $0x0  }
.LBB2_2:
0x12: {  	p0 =	sne.s32 s22, $0xF5C0  }
.Ltmp0:
0x13: {  	_ = 	snop;
	(pc) =	sbr.rel @p0 .LBB2_2-.Ltmp0, $3  }
0x14: {  	_ =	sdelay $0x1  }
0x15: {  	s23 =	sshra.s32 s22, $0x2  }
0x16: {  	s22 =	sadd.s32 $0x40, s22;
	[tilespmem:s23+$0x7B00] =	vst v0  }
0x17: {  	s22 =	simm.s32 $0x40;
	s23 =	simm.s32 $0x0  }
.LBB2_4:
0x18: {  	p0 =	sne.s32 s22, $0xF400;
	[tilespmem:s23+$0xB880] =	vst v1;
	s23 =	smov.u32 s22;
	s22 =	sadd.s32 $0x40, s22  }
.Ltmp1:
0x19: {  	(pc) =	sbr.rel @p0 .LBB2_4-.Ltmp1, $2  }
0x1a: {  	_ =	sdelay $0x2  }
0x1b: {  	s23 =	sshra.s32 s23, $0x2  }
0x1c: {  	[tilespmem:s23+$0xB880] =	vst v1  }
0x1d: {  	[tilespmem:s4], [sflag:$0x3] =	stream.linear.gather [hbm4b:s5+s4], $0x3D80, $0x38;
	[tilespmem:$0x1EA40] =	vst v63  }
0x1e: {  	_ =	swait.ge [sflag:s15], $0x3D80  }
0x1f: {  	[sflag:s15] =	ssyncset.done $0x0  }
0x20: {  	[sflag:s15] =	ssyncadd.s32 $0xFFFFC280  }
0x21: {  	[tilespmem:s16], [sflag:$0x1] =	stream.indirect.gather [hbm4b:s2+s16], $0x1, s4, s16, $0xb8;
	[tilespmem:$0x1EA40] =	vst v63  }
0x22: {  	_ = 	snop  }
0x23: {  	[spmem:s6] =	stream.linear.scatter [tilespmem:s17], [sflag:$0x3], $0x3D10, $0x38;
	[tilespmem:$0x1EA40] =	vst v63  }
0x24: {  	_ =	swait.ge [sflag:s15], $0x3D10  }
0x25: {  	[sflag:s15] =	ssyncset.done $0x0  }
0x26: {  	[sflag:s15] =	ssyncadd.s32 $0xFFFFC2F0  }
0x27: {  	[spmem:s7] =	stream.linear.scatter [tilespmem:s17], [sflag:$0x3], $0x3D10, $0x38;
	[tilespmem:$0x1EA40] =	vst v63  }
0x28: {  	_ =	swait.ge [sflag:s15], $0x3D10  }
0x29: {  	[sflag:s15] =	ssyncset.done $0x0  }
0x2a: {  	[sflag:s15] =	ssyncadd.s32 $0xFFFFC2F0  }
0x2b: {  	[spmem:s8] =	stream.linear.scatter [tilespmem:s17], [sflag:$0x3], $0x3D10, $0x38;
	[tilespmem:$0x1EA40] =	vst v63  }
0x2c: {  	_ =	swait.ge [sflag:s15], $0x3D10  }
0x2d: {  	[sflag:s15] =	ssyncset.done $0x0  }
0x2e: {  	[sflag:s15] =	ssyncadd.s32 $0xFFFFC2F0  }
0x2f: {  	[spmem:s9] =	stream.linear.scatter [tilespmem:s17], [sflag:$0x3], $0x3D10, $0x38;
	[tilespmem:$0x1EA40] =	vst v63  }
0x30: {  	_ =	swait.ge [sflag:s15], $0x3D10  }
0x31: {  	[sflag:s15] =	ssyncset.done $0x0  }
0x32: {  	[sflag:s15] =	ssyncadd.s32 $0xFFFFC2F0  }
0x33: {  	_ =	swait.ge [sflag:s18], $0x3D80  }
0x34: {  	[sflag:s18] =	ssyncset.done $0x0  }
0x35: {  	[sflag:s18] =	ssyncadd.s32 $0xFFFFC280  }
0x36: {  	[bflag:$0x0] =	sbarrier.arrive $0xFFFF  }
0x37: {  	[spmem:s3] =	stream.indirect.scatter [tilespmem:s19], [sflag:$0x2], $0x1, s16, s16, $0xb8;
	[tilespmem:$0x1EA40] =	vst v63  }
0x38: {  	_ =	swait.ge [sflag:s20], $0x3D80  }
0x39: {  	[sflag:s20] =	ssyncset.done $0x0  }
0x3a: {  	[sflag:s20] =	ssyncadd.s32 $0xFFFFC280  }
0x3b: {  	[bflag:$0x0] =	sbarrier.arrive $0xFFFF  }
0x3c: {  	[tilespmem:s17], [sflag:$0x3] =	stream.linear.gather [spmem:s6], $0x3D10, $0x38;
	[tilespmem:$0x1EA40] =	vst v63  }
0x3d: {  	_ =	swait.ge [sflag:s15], $0x3D10  }
0x3e: {  	[sflag:s15] =	ssyncset.done $0x0  }
0x3f: {  	[sflag:s15] =	ssyncadd.s32 $0xFFFFC2F0  }
0x40: {  	[hbm4b:s10+s4] =	stream.linear.scatter [tilespmem:s17], [sflag:$0x3], $0x3D10, $0x38;
	[tilespmem:$0x1EA40] =	vst v63  }
0x41: {  	_ =	swait.ge [sflag:s15], $0x3D10  }
0x42: {  	[sflag:s15] =	ssyncset.done $0x0  }
0x43: {  	[sflag:s15] =	ssyncadd.s32 $0xFFFFC2F0  }
0x44: {  	[tilespmem:s17], [sflag:$0x3] =	stream.linear.gather [spmem:s7], $0x3D10, $0x38;
	[tilespmem:$0x1EA40] =	vst v63  }
0x45: {  	_ =	swait.ge [sflag:s15], $0x3D10  }
0x46: {  	[sflag:s15] =	ssyncset.done $0x0  }
0x47: {  	[sflag:s15] =	ssyncadd.s32 $0xFFFFC2F0  }
0x48: {  	[hbm4b:s11+s4] =	stream.linear.scatter [tilespmem:s17], [sflag:$0x3], $0x3D10, $0x38;
	[tilespmem:$0x1EA40] =	vst v63  }
0x49: {  	_ =	swait.ge [sflag:s15], $0x3D10  }
0x4a: {  	[sflag:s15] =	ssyncset.done $0x0  }
0x4b: {  	[sflag:s15] =	ssyncadd.s32 $0xFFFFC2F0  }
0x4c: {  	[tilespmem:s17], [sflag:$0x3] =	stream.linear.gather [spmem:s8], $0x3D10, $0x38;
	[tilespmem:$0x1EA40] =	vst v63  }
0x4d: {  	_ =	swait.ge [sflag:s15], $0x3D10  }
0x4e: {  	[sflag:s15] =	ssyncset.done $0x0  }
0x4f: {  	[sflag:s15] =	ssyncadd.s32 $0xFFFFC2F0  }
0x50: {  	[hbm4b:s12+s4] =	stream.linear.scatter [tilespmem:s17], [sflag:$0x3], $0x3D10, $0x38;
	[tilespmem:$0x1EA40] =	vst v63  }
0x51: {  	_ =	swait.ge [sflag:s15], $0x3D10  }
0x52: {  	[sflag:s15] =	ssyncset.done $0x0  }
0x53: {  	[sflag:s15] =	ssyncadd.s32 $0xFFFFC2F0  }
0x54: {  	[tilespmem:s17], [sflag:$0x3] =	stream.linear.gather [spmem:s9], $0x3D10, $0x38;
	[tilespmem:$0x1EA40] =	vst v63  }
0x55: {  	s21 =	sadd.s32 $0x1, s21;
	_ =	swait.ge [sflag:s15], $0x3D10  }
0x56: {  	p0 =	sne.s32 s21, s14;
	[sflag:s15] =	ssyncset.done $0x0  }
.Ltmp2:
0x57: {  	[sflag:s15] =	ssyncadd.s32 $0xFFFFC2F0;
	(pc) =	sbr.rel @p0 .LBB2_1-.Ltmp2, $4  }
0x58: {  	[hbm4b:s13+s4] =	stream.linear.scatter [tilespmem:s17], [sflag:$0x3], $0x3D10, $0x38;
	[tilespmem:$0x1EA40] =	vst v63  }
0x59: {  	_ =	swait.ge [sflag:s15], $0x3D10  }
0x5a: {  	[sflag:s15] =	ssyncset.done $0x0  }
0x5b: {  	[sflag:s15] =	ssyncadd.s32 $0xFFFFC2F0  }
0x5c: {  	_ =	sfence.sel $0x180000  }
0x5d: {  	[bflag:$0x0] =	sbarrier.arrive $0xFFFF  }
0x5e: {  	p0 =	sne.s32 s1, $0x0;
	_ =	strace $0x90000047  }
0x5f: {  	s0 =	sadd.s32 @!p0 $0x100000, s0;
	[bflag:$0x2] =	sbarrier.arrive $0xFFFF  }
0x60: {  	[sflag:s0] =	ssyncadd.tile.s32 @!p0 $0x1;
	_ =	shalt  }
.Lfunc_end2:
_tile_overlayer_lowered:
.L_overlay_start_2:
0x61: {  	(tag) =	ssettag $0x2  }
0x62: {  	s0 =	rddreg [dreg:$0x0];
	s2 =	stileid.u32  }
0x63: {  	s1 =	rddreg [dreg:$0x1];
	p0 =	sne.s32 s2, $0x0  }
0x64: {  	s3 =	rddreg [dreg:$0x2];
	[bflag:$0x3] =	sbarrier.arrive $0xFFFF;
	s2 =	simm.s32 @!p0 $0x1C03  }
0x65: {  	[timem:s3], [sflag:s2] =	dma.local @!p0 [hbm:s0], s1  }
0x66: {  	s0 =	simm.s32 @!p0 $0x3  }
0x67: {  	_ =	swait.ge @!p0 [sflag:s0], s1  }
0x68: {  	s1 =	ssub.s32 @!p0 $0x0, s1;
	[sflag:s0] =	ssyncset.done @!p0 $0x0  }
0x69: {  	[sflag:s0] =	ssyncadd.s32 @!p0 s1  }
0x6a: {  	[bflag:$0x3] =	sbarrier.arrive $0xFFFF  }
0x6b: {  	_ =	shalt  }

// kernel: kernel.7.cloned.1.call-start
scs
__scs_entry_jumppad:
0x0: {  	(pc) =	sbr.rel $0x88, $3  }
0x1: {  	(tag) =	ssettag $0x0;
	lr =	simm.s32 $0x1  }
0x2: {  	[smem:$0x3F9D] =	sst lr;
	_ =	strace $0xD0000000  }
0x3: {  	_ = 	snop  }
0x4: {  	_ = 	snop  }
0x5: {  	_ = 	snop  }
0x6: {  	_ = 	snop  }
0x7: {  	_ = 	snop  }
__scs_overlays_trampoline_lowered:
0x8: {  	[smem:$0x3FAC] =	sst s0  }
0x9: {  	[smem:$0x3FAD] =	sst s1  }
0xa: {  	[smem:$0x3FAE] =	sst s2  }
0xb: {  	[smem:$0x3FAF] =	sst s3  }
0xc: {  	[smem:$0x3FB0] =	sst s4  }
0xd: {  	[smem:$0x3FB1] =	sst s5  }
0xe: {  	[smem:$0x3FB2] =	sst s6  }
0xf: {  	[smem:$0x3FB3] =	sst s7  }
0x10: {  	[smem:$0x3FB4] =	sst s8  }
0x11: {  	[smem:$0x3FB5] =	sst s9;
	s0 =	simm.s32 @!p0 $0x0  }
0x12: {  	s1 =	sld [smem:$0x3F9B];
	s0 =	simm.s32 @p0 $0x1  }
0x13: {  	[smem:$0x3FB6] =	sst s0;
	s0 =	simm.s32 @!p1 $0x0  }
0x14: {  	s2 =	sld [smem:$0x3F9A];
	s0 =	simm.s32 @p1 $0x1  }
0x15: {  	[smem:$0x3FB7] =	sst s0;
	s0 =	simm.s32 @!p2 $0x0  }
0x16: {  	s3 =	sld [smem:$0x3FDB];
	s0 =	simm.s32 @p2 $0x1  }
0x17: {  	s4 =	simm.s32 $0x1BF5;
	[smem:$0x3FB9] =	sst s0  }
0x18: {  	s0 =	sld [smem:$0x3F9C];
	_ =	swait.ge [sflag:s4], $0x0  }
0x19: {  	s7 =	sld [smem:$0x3F9D]  }
0x1a: {  	s8 =	sadd.s32 $0xFFFFE003, lr  }
0x1b: {  	s9 =	sadd.s32 $0xFFFFFEF7, lr;
	s5 =	simm.s32 $0xFFFFFFFF;
	p2 =	slt.u32 s8, $0xFFFFF086  }
0x1c: {  	p1 =	slt.u32 s9, $0xF7A;
	s5 =	simm.s32 @!p2 $0x0  }
0x1d: {  	s5 =	simm.s32 @p1 $0x1;
	p0 =	seq.s32 s7, s2  }
0x1e: {  	s7 =	smul.u32 @!p0 $0xF7A, s2;
	p2 =	seq.s32 @!p0 s5, $0x0  }
0x1f: {  	s9 =	smul.u32 $0xF7A, s1;
	s8 =	simm.s32 @!p0 $0x1BF5;
	p2 =	por !p2, p0  }
0x20: {  	[sflag:s8] =	ssyncset.s32 @!p0 $0xFFFFF086;
	s6 =	sadd.s32 @!p0 s3, s7;
	s7 =	simm.s32 @!p0 $0x108  }
0x21: {  	s3 =	sadd.s32 s3, s9;
	s6 =	sadd.s32 @!p0 $0x88, s6;
	s7 =	simm.s32 @p2 $0x1082  }
0x22: {  	[simem:s7], [sflag:s8] =	dma.local @!p0 [hbm:s6], $0xF7A  }
0x23: {  	s9 =	sor.u32 $0xD0000000, s2;
	s6 =	simm.s32 $0x108;
	_ =	swait.ge @!p0 [sflag:s8], $0x0  }
0x24: {  	s3 =	sadd.s32 $0x88, s3;
	s6 =	simm.s32 @!p1 $0x1082;
	[sflag:s4] =	ssyncset.s32 $0xFFFFF086  }
0x25: {  	[simem:s6], [sflag:s4] =	dma.local [hbm:s3], $0xF7A  }
0x26: {  	[smem:$0x3F9D] =	sst s1;
	(tag) =	ssettag s2;
	_ =	strace s9  }
0x27: {  	s1 =	sld [smem:$0x3FAD]  }
0x28: {  	s2 =	sld [smem:$0x3FAE]  }
0x29: {  	s4 =	sld [smem:$0x3FB0]  }
0x2a: {  	p0 =	seq.s32 s5, $0x0;
	s5 =	sld [smem:$0x3FB1]  }
0x2b: {  	s6 =	sld [smem:$0x3FB2]  }
0x2c: {  	s7 =	sld [smem:$0x3FB3]  }
0x2d: {  	s3 =	simm.s32 $0x108;
	s8 =	sld [smem:$0x3FB4]  }
0x2e: {  	s3 =	simm.s32 @!p0 $0x1082;
	s9 =	sld [smem:$0x3FB5]  }
0x2f: {  	lr =	sadd.s32 s0, s3;
	s0 =	sld [smem:$0x3FAC]  }
0x30: {  	s3 =	sld [smem:$0x3FAF]  }
0x31: {  	[smem:$0x3FB8] =	sst s10  }
0x32: {  	s10 =	sld [smem:$0x3FB6];
	_ =	sdelay $0x3  }
0x33: {  	p0 =	seq.s32 s10, $0x1;
	s10 =	sld [smem:$0x3FB8];
	_ =	sdelay $0x3  }
0x34: {  	[smem:$0x3FB8] =	sst s10  }
0x35: {  	s10 =	sld [smem:$0x3FB7];
	_ =	sdelay $0x3  }
0x36: {  	p1 =	seq.s32 s10, $0x1;
	s10 =	sld [smem:$0x3FB8];
	_ =	sdelay $0x3  }
0x37: {  	[smem:$0x3FB8] =	sst s10  }
0x38: {  	s10 =	sld [smem:$0x3FB9]  }
0x39: {  	_ = 	snop;
	(pc) =	sbr.ind lr, $3  }
0x3a: {  	_ = 	snop  }
0x3b: {  	_ = 	snop  }
0x3c: {  	p2 =	seq.s32 s10, $0x1;
	s10 =	sld [smem:$0x3FB8]  }
0x3d: {  	_ =	shalt  }
0x3e: {  	_ =	shalt  }
0x3f: {  	_ =	shalt  }
0x40: {  	_ =	shalt  }
0x41: {  	_ =	shalt  }
0x42: {  	_ =	shalt  }
0x43: {  	_ =	shalt  }
0x44: {  	_ =	shalt  }
0x45: {  	_ =	shalt  }
0x46: {  	_ =	shalt  }
0x47: {  	_ =	shalt  }
0x48: {  	_ =	shalt  }
0x49: {  	_ =	shalt  }
0x4a: {  	_ =	shalt  }
0x4b: {  	_ =	shalt  }
0x4c: {  	_ =	shalt  }
0x4d: {  	_ =	shalt  }
0x4e: {  	_ =	shalt  }
0x4f: {  	_ =	shalt  }
0x50: {  	_ =	shalt  }
0x51: {  	_ =	shalt  }
0x52: {  	_ =	shalt  }
0x53: {  	_ =	shalt  }
0x54: {  	_ =	shalt  }
0x55: {  	_ =	shalt  }
0x56: {  	_ =	shalt  }
0x57: {  	_ =	shalt  }
0x58: {  	_ =	shalt  }
0x59: {  	_ =	shalt  }
0x5a: {  	_ =	shalt  }
0x5b: {  	_ =	shalt  }
0x5c: {  	_ =	shalt  }
0x5d: {  	_ =	shalt  }
0x5e: {  	_ =	shalt  }
0x5f: {  	_ =	shalt  }
0x60: {  	_ =	shalt  }
0x61: {  	_ =	shalt  }
0x62: {  	_ =	shalt  }
0x63: {  	_ =	shalt  }
0x64: {  	_ =	shalt  }
0x65: {  	_ =	shalt  }
0x66: {  	_ =	shalt  }
0x67: {  	_ =	shalt  }
0x68: {  	_ =	shalt  }
0x69: {  	_ =	shalt  }
0x6a: {  	_ =	shalt  }
0x6b: {  	_ =	shalt  }
0x6c: {  	_ =	shalt  }
0x6d: {  	_ =	shalt  }
0x6e: {  	_ =	shalt  }
0x6f: {  	_ =	shalt  }
0x70: {  	_ =	shalt  }
0x71: {  	_ =	shalt  }
0x72: {  	_ =	shalt  }
0x73: {  	_ =	shalt  }
0x74: {  	_ =	shalt  }
0x75: {  	_ =	shalt  }
0x76: {  	_ =	shalt  }
0x77: {  	_ =	shalt  }
0x78: {  	_ =	shalt  }
0x79: {  	_ =	shalt  }
0x7a: {  	_ =	shalt  }
0x7b: {  	_ =	shalt  }
0x7c: {  	_ =	shalt  }
0x7d: {  	_ =	shalt  }
0x7e: {  	_ =	shalt  }
0x7f: {  	_ =	shalt  }
0x80: {  	_ =	shalt  }
0x81: {  	_ =	shalt  }
0x82: {  	_ =	shalt  }
0x83: {  	_ =	shalt  }
0x84: {  	_ =	shalt  }
0x85: {  	_ =	shalt  }
0x86: {  	_ =	shalt  }
0x87: {  	_ =	shalt  }
.Lfunc_end0:
.L_simem_size_0:
called_computation.1_lowered:
.L_overlay_start_0:
0x88: {  	s2 =	sld [smem:$0x3FD9]  }
0x89: {  	s3 =	sld [smem:$0x3FFE];
	_ =	sdelay $0x1  }
0x8a: {  	s1 =	srdreg.scid  }
0x8b: {  	s0 =	sand.u32 $0x1, s1  }
0x8c: {  	s17 =	sshll.u32 s0, $0xA;
	s2 =	sadd.s32 s3, s2  }
0x8d: {  	s2 =	sadd.s32 s2, s17  }
0x8e: {  	[smem:$0x3FC4] =	sst s2  }
0x8f: {  	_ = 	snop  }
0x90: {  	s2 =	sld [smem:$0x3FC9]  }
0x91: {  	s18 =	sld [smem:$0x3FD0];
	(tm) =	ssettm $0x1  }
0x92: {  	s4 =	sld [smem:$0x3FFB];
	_ =	sdelay $0x3  }
0x93: {  	_ =	strace s4  }
0x94: {  	s4 =	sld [smem:$0x3FFC];
	_ =	sdelay $0x3  }
0x95: {  	_ =	strace s4  }
0x96: {  	s4 =	sld [smem:$0x3FFD];
	_ =	sdelay $0x3  }
0x97: {  	_ =	strace s4  }
0x98: {  	_ =	strace $0x8FFFFFFF  }
0x99: {  	s19 =	sld [smem:$0x3FDB];
	_ =	sdelay $0x1  }
0x9a: {  	s5 =	simm.s32 $_scs_section_size  }
0x9b: {  	s6 =	simm.s32 $_size__tile_overlayer_lowered;
	s7 =	simm.s32 $_tile_overlayer_lowered  }
0x9c: {  	s22 =	simm.s32 $0x1BFF;
	s21 =	sshll.u32 s7, $0x1;
	s4 =	sadd.s32 s5, s19  }
0x9d: {  	s8 =	simm.s32 $0x0;
	s20 =	sshll.u32 s6, $0x1;
	s6 =	sadd.s32 s21, s4  }
0x9e: {  	[timem:s8], [sflag:s22] =	dma.local [hbm:s6], s20  }
0x9f: {  	_ =	swait.ge [sflag:s22], s20  }
0xa0: {  	s5 =	ssub.s32 $0x0, s20;
	[sflag:s22] =	ssyncset.done $0x0  }
0xa1: {  	[sflag:s22] =	ssyncadd.s32 s5;
	_ =	sdelay $0x1  }
0xa2: {  	s23 =	simm.s32 $0x1B8B  }
0xa3: {  	_ =	swait.ge [sflag:s23], $0x1  }
0xa4: {  	[sflag:s23] =	ssyncset.done $0x0  }
0xa5: {  	s25 =	simm.s32 $0x1B8E;
	s24 =	sld [smem:$0x3FFE];
	[sflag:s23] =	ssyncadd.s32 $0xFFFFFFFF  }
0xa6: {  	s26 =	simm.s32 $execute0_lowered;
	[smem:$0x3FD2] =	sst s25  }
0xa7: {  	s6 =	sshll.u32 s26, $0x1;
	_ =	strace $0x80000049;
	[dreg:$0x1] =	wrdreg $0xFFFFFFFF  }
0xa8: {  	s28 =	simm.s32 $_size_execute0_lowered;
	s4 =	sadd.s32 s4, s6;
	[dreg:$0x0] =	wrdreg $0x0  }
0xa9: {  	s6 =	sshll.u32 s28, $0x1;
	[dreg:$0x2] =	wrdreg s4  }
0xaa: {  	[dreg:$0x3] =	wrdreg s6  }
0xab: {  	[dreg:$0x4] =	wrdreg $0xC0  }
0xac: {  	_ =	task [dreg:s8], $0x5FFFF  }
0xad: {  	[dreg:$0x1] =	wrdreg $0xFFFFFFFF  }
0xae: {  	[dreg:$0x0] =	wrdreg $0x60  }
0xaf: {  	[dreg:$0x2] =	wrdreg s24  }
0xb0: {  	[dreg:$0x3] =	wrdreg s2  }
0xb1: {  	[dreg:$0x4] =	wrdreg s18  }
0xb2: {  	[dreg:$0x5] =	wrdreg $0x9  }
0xb3: {  	_ =	task.clear_ibuf [dreg:s8], $0x6FFFF;
	_ =	strace $0x90000049  }
0xb4: {  	s29 =	simm.s32 $0x9;
	_ =	strace $0x8000004B  }
0xb5: {  	_ =	swait.ge [sflag:s29], $0x1  }
0xb6: {  	[sflag:s29] =	ssyncadd.s32 $0xFFFFFFFF  }
0xb7: {  	_ =	strace $0x9000004B  }
0xb8: {  	_ =	sfence  }
0xb9: {  	s30 =	sld [smem:$0x0];
	_ =	sdelay $0x2  }
0xba: {  	s31 =	sshll.u32 s1, $0xD;
	s1 =	sshrl.u32 s1, $0x2  }
0xbb: {  	s3 =	sand.u32 $0x4000, s31;
	s1 =	sadd.s32 s1, s30  }
0xbc: {  	s0 =	sor.u32 s3, s0;
	s1 =	sshll.u32 s1, $0x11  }
0xbd: {  	s0 =	sor.u32 s1, s0  }
0xbe: {  	s0 =	sadd.s32 $0x8F2B, s0  }
0xbf: {  	[sflag:s0] =	ssyncadd.remote.s32 $0x1  }
0xc0: {  	_ =	sfence.sel $0xFFFF  }
0xc1: {  	[dreg:$0x0] =	wrdreg $0xFFFFFFFF;
	(pc) =	sbr.abs _section_cstart, $3  }
0xc2: {  	[dreg:$0x1] =	wrdreg $0xFFFFFFFF  }
0xc3: {  	_ =	task.clear_ibuf [dreg:s8], $0x2FFFF;
	_ =	strace $0x9FFFFFFF  }
0xc4: {  	(tm) =	ssettm $0x7FFFFFFF  }
0xc5: {  	_ =	shalt  }
tec
execute0_lowered:
.L_overlay_start_1:
0x0: {  	(tag) =	ssettag $0x1  }
0x1: {  	s1 =	srdreg.scid  }
0x2: {  	s0 =	stileid.u32;
	s3 =	rddreg [dreg:$0x0]  }
0x3: {  	s5 =	rddreg [dreg:$0x1];
	s4 =	sand.u32 $0x1, s1;
	s31 =	sshll.u32 s0, $0x1  }
0x4: {  	s6 =	rddreg [dreg:$0x2];
	s2 =	simm.s32 $0x0;
	s1 =	sor.u32 s4, s31  }
0x5: {  	s10 =	simm.s32 $0xF500;
	[smem:$0x7FF] =	sst s2;
	s7 =	smul.u32 $0x7A10, s1  }
0x6: {  	s11 =	simm.s32 $0x0;
	s4 =	ssub.s32 $0x2, s4;
	s1 =	rddreg [dreg:$0x3]  }
0x7: {  	s8 =	sshrl.u32 s4, $0x1;
	_ =	strace $0x8000004A;
	s7 =	sshrl.u32 s7, $0x3  }
0x8: {  	s8 =	ssub.s32 s4, s8;
	s9 =	sadd.s32 s7, s3;
	s5 =	sadd.s32 s5, s7  }
0x9: {  	s6 =	sadd.s32 s6, s7;
	s7 =	smax.u32 s8, $0x1;
	s8 =	simm.s32 $0x1  }
0xa: {  	s3 =	sadd.s32 $0x3F000, s9;
	s4 =	sadd.s32 $0x5D880, s9;
	s9 =	simm.s32 $0x7A80  }
.LBB2_1:
0xb: {  	[tilespmem:s2], [sflag:$0x1] =	stream.linear.gather [hbm4b:s3+s2], $0x7A50, $0x38;
	[tilespmem:$0x16F80] =	vst v63  }
0xc: {  	_ =	swait.ge [sflag:s8], $0x7A50  }
0xd: {  	[sflag:s8] =	ssyncset.done $0x0  }
0xe: {  	[sflag:s8] =	ssyncadd.s32 $0xFFFF85B0  }
0xf: {  	[tilespmem:s9], [sflag:$0x1] =	stream.linear.gather [hbm4b:s4+s2], $0x7A50, $0x38;
	[tilespmem:$0x16F80] =	vst v63  }
0x10: {  	_ =	swait.ge [sflag:s8], $0x7A50  }
0x11: {  	[sflag:s8] =	ssyncset.done $0x0  }
0x12: {  	[sflag:s8] =	ssyncadd.s32 $0xFFFF85B0  }
0x13: {  	[tilespmem:s10], [sflag:$0x1] =	stream.linear.gather [hbm4b:s5+s2], $0x7A50, $0x38;
	[tilespmem:$0x16F80] =	vst v63  }
0x14: {  	_ =	swait.ge [sflag:s8], $0x7A50  }
0x15: {  	[sflag:s8] =	ssyncset.done $0x0  }
0x16: {  	s12 =	simm.s32 $0x0;
	[sflag:s8] =	ssyncadd.s32 $0xFFFF85B0  }
0x17: {  	v0 =	vld [tilespmem:s12+$0x0]  }
0x18: {  	v2 =	vld [tilespmem:s12+$0x7A80];
	_ =	sdelay $0x1  }
0x19: {  	v1 =	vld [tilespmem:s12+$0xF500];
	_ =	sdelay $0x2  }
0x1a: {  	s13 =	simm.s32 $0x10;
	v2 =	vor.u32 v0, v2  }
0x1b: {  	s14 =	simm.s32 $0x80;
	v0 =	vld [tilespmem:s13+$0x0];
	vm0 =	veq.s32 v2, $0x0  }
.LBB2_2:
0x1c: {  	p0 =	sne.s32 s14, $0x1E900;
	v2 =	vld [tilespmem:s13+$0x7A80];
	v1 =	vnsel vm0, $0x3F800000, v1  }
0x1d: {  	[tilespmem:s12+$0xF500] =	vst v1;
	s12 =	smov.u32 s13  }
.Ltmp0:
0x1e: {  	v1 =	vld [tilespmem:s12+$0xF500];
	(pc) =	sbr.rel @p0 .LBB2_2-.Ltmp0, $3  }
0x1f: {  	_ =	sdelay $0x1  }
0x20: {  	s13 =	sshra.s32 s14, $0x2;
	v2 =	vor.u32 v0, v2  }
0x21: {  	s14 =	sadd.s32 $0x40, s14;
	v0 =	vld [tilespmem:s13+$0x0];
	vm0 =	veq.s32 v2, $0x0  }
0x22: {  	v2 =	vld [tilespmem:s13+$0x7A80];
	v1 =	vnsel vm0, $0x3F800000, v1  }
0x23: {  	[tilespmem:s12+$0xF500] =	vst v1  }
0x24: {  	v1 =	vld [tilespmem:s13+$0xF500];
	_ =	sdelay $0x2  }
0x25: {  	v0 =	vor.u32 v0, v2  }
0x26: {  	s11 =	sadd.s32 $0x1, s11;
	vm15 =	veq.s32 v0, $0x0  }
0x27: {  	p0 =	sne.s32 s11, s7;
	v0 =	vnsel vm15, $0x3F800000, v1  }
.Ltmp1:
0x28: {  	[tilespmem:s13+$0xF500] =	vst v0;
	(pc) =	sbr.rel @p0 .LBB2_1-.Ltmp1, $4  }
0x29: {  	[hbm4b:s6+s2] =	stream.linear.scatter [tilespmem:s10], [sflag:$0x1], $0x7A50, $0x38;
	[tilespmem:$0x16F80] =	vst v63  }
0x2a: {  	_ =	swait.ge [sflag:s8], $0x7A50  }
0x2b: {  	[sflag:s8] =	ssyncset.done $0x0  }
0x2c: {  	[sflag:s8] =	ssyncadd.s32 $0xFFFF85B0  }
0x2d: {  	_ =	sfence.sel $0x180000  }
0x2e: {  	[bflag:$0x0] =	sbarrier.arrive $0xFFFF  }
0x2f: {  	p0 =	sne.s32 s0, $0x0;
	_ =	strace $0x9000004A  }
0x30: {  	s0 =	sadd.s32 @!p0 $0x100000, s1;
	[bflag:$0x2] =	sbarrier.arrive $0xFFFF  }
0x31: {  	[sflag:s0] =	ssyncadd.tile.s32 @!p0 $0x1;
	_ =	shalt  }
.Lfunc_end2:
_tile_overlayer_lowered:
.L_overlay_start_2:
0x32: {  	(tag) =	ssettag $0x2  }
0x33: {  	s0 =	rddreg [dreg:$0x0];
	s2 =	stileid.u32  }
0x34: {  	s1 =	rddreg [dreg:$0x1];
	p0 =	sne.s32 s2, $0x0  }
0x35: {  	s3 =	rddreg [dreg:$0x2];
	[bflag:$0x3] =	sbarrier.arrive $0xFFFF;
	s2 =	simm.s32 @!p0 $0x1C01  }
0x36: {  	[timem:s3], [sflag:s2] =	dma.local @!p0 [hbm:s0], s1  }
0x37: {  	s0 =	simm.s32 @!p0 $0x1  }
0x38: {  	_ =	swait.ge @!p0 [sflag:s0], s1  }
0x39: {  	s1 =	ssub.s32 @!p0 $0x0, s1;
	[sflag:s0] =	ssyncset.done @!p0 $0x0  }
0x3a: {  	[sflag:s0] =	ssyncadd.s32 @!p0 s1  }
0x3b: {  	[bflag:$0x3] =	sbarrier.arrive $0xFFFF  }
0x3c: {  	_ =	shalt  }

</sc_bundles>
